<compile_context>
chip_gen: v7x
topology: tpu7x:2x2x1
jax: 0.10.2.dev20260603
libtpu: 0.0.44.dev20260713+nightly
codegen_flags: <defaults>
</compile_context>

<pallas_src>
import functools

import jax
import jax.numpy as jnp
from jax import lax
from jax.experimental import pallas as pl
from jax.experimental.pallas import tpu as pltpu
from jax.experimental.pallas import tpu_sc as plsc

VOCAB = 100000
DIM = 128
RANK = 256
SCALING = 512.0 / 256.0
N_TOK = 1024 * 20
HALF = N_TOK // 2

NC = 2
NS = 16
NW = NC * NS
TOK_PER_W = HALF // NW
CKT = 80
NCKT = TOK_PER_W // CKT

_mesh = plsc.VectorSubcoreMesh(core_axis_name="c", subcore_axis_name="s")


def _pipelined_gather(table_hbm, idx_v, out_hbm, base, bufs, gsems, ssems):
    g = {}
    s = {}
    g[0] = pltpu.async_copy(
        table_hbm.at[idx_v.at[pl.ds(0, CKT)]], bufs.at[0], gsems[0]
    )
    for c in range(NCKT):
        p = c % 2
        if c + 1 < NCKT:
            if c >= 1:
                s[c - 1].wait()
            g[c + 1] = pltpu.async_copy(
                table_hbm.at[idx_v.at[pl.ds((c + 1) * CKT, CKT)]],
                bufs.at[1 - p],
                gsems[1 - p],
            )
        g[c].wait()
        s[c] = pltpu.async_copy(
            bufs.at[p], out_hbm.at[pl.ds(base + c * CKT, CKT)], ssems[p]
        )
    s[NCKT - 2].wait()
    s[NCKT - 1].wait()


@functools.partial(
    pl.kernel,
    mesh=_mesh,
    out_type=(
        jax.ShapeDtypeStruct((HALF, RANK), jnp.float32),
        jax.ShapeDtypeStruct((HALF, DIM), jnp.float32),
    ),
    compiler_params=pltpu.CompilerParams(use_tc_tiling_on_sc=True),
    scratch_types=[
        pltpu.VMEM((TOK_PER_W,), jnp.int32),
        pltpu.VMEM((2, CKT, RANK), jnp.float32),
        pltpu.VMEM((2, CKT, DIM), jnp.float32),
        pltpu.SemaphoreType.DMA,
        pltpu.SemaphoreType.DMA,
        pltpu.SemaphoreType.DMA,
        pltpu.SemaphoreType.DMA,
    ],
)
def _sc_gathers(
    at_hbm, bw_hbm, idx_hbm, zt_hbm, bg_hbm,
    idx_v, zbuf, bbuf, sem_a, sem_b, sem_c, sem_d,
):
    wid = lax.axis_index("s") * NC + lax.axis_index("c")
    base = wid * TOK_PER_W
    pltpu.sync_copy(idx_hbm.at[pl.ds(base, TOK_PER_W)], idx_v)
    _pipelined_gather(at_hbm, idx_v, zt_hbm, base, zbuf, (sem_a, sem_b), (sem_c, sem_d))
    _pipelined_gather(bw_hbm, idx_v, bg_hbm, base, bbuf, (sem_a, sem_b), (sem_c, sem_d))


TBLK = 2048


def _tc_body(zt_ref, bg_ref, b_ref, out_ref):
    acc = lax.dot_general(
        zt_ref[...], b_ref[...],
        (((1,), (1,)), ((), ())),
        preferred_element_type=jnp.float32,
    )
    out_ref[...] = bg_ref[...] + acc * SCALING


def _tc_body_alias(zt_ref, bg_ref, b_ref, prev_ref, out_ref):
    _tc_body(zt_ref, bg_ref, b_ref, out_ref)


def _tc_first(zt, base_g, lora_B):
    return pl.pallas_call(
        _tc_body,
        grid=(HALF // TBLK,),
        in_specs=[
            pl.BlockSpec((TBLK, RANK), lambda i: (i, 0)),
            pl.BlockSpec((TBLK, DIM), lambda i: (i, 0)),
            pl.BlockSpec((DIM, RANK), lambda i: (0, 0)),
        ],
        out_specs=pl.BlockSpec((TBLK, DIM), lambda i: (i, 0)),
        out_shape=jax.ShapeDtypeStruct((N_TOK, DIM), jnp.float32),
    )(zt, base_g, lora_B)


def _tc_second(zt, base_g, lora_B, prev):
    off = HALF // TBLK
    return pl.pallas_call(
        _tc_body_alias,
        grid=(HALF // TBLK,),
        in_specs=[
            pl.BlockSpec((TBLK, RANK), lambda i: (i, 0)),
            pl.BlockSpec((TBLK, DIM), lambda i: (i, 0)),
            pl.BlockSpec((DIM, RANK), lambda i: (0, 0)),
            pl.BlockSpec(memory_space=pl.ANY),
        ],
        out_specs=pl.BlockSpec((TBLK, DIM), lambda i: (i + off, 0)),
        out_shape=jax.ShapeDtypeStruct((N_TOK, DIM), jnp.float32),
        input_output_aliases={3: 0},
    )(zt, base_g, lora_B, prev)


def kernel(input_ids, base_weight, lora_A, lora_B):
    n_i, n_j = input_ids.shape
    ids = input_ids.T.reshape(-1).astype(jnp.int32)
    at = lora_A.T
    zt1, bg1 = _sc_gathers(at, base_weight, ids[:HALF])
    zt2, bg2 = _sc_gathers(at, base_weight, ids[HALF:])
    out1 = _tc_first(zt1, bg1, lora_B)
    out = _tc_second(zt2, bg2, lora_B, out1)
    return out.reshape(n_j, n_i, DIM).swapaxes(0, 1)

# --- scband reference (transcript-rebuilt; emitter-appended) ---
"""Pipeline reference for scband-lo-raembedding-33603824124663 (READ-ONLY COPY).

The authoritative reference and input builder live on the scoring server;
editing this copy changes nothing except your own understanding.
"""

import jax, jax.numpy as jnp
import numpy as np

VOCAB = 100000
DIM = 128
RANK = 256
ALPHA = 512.0
SCALING = ALPHA / RANK


def setup_inputs(seed: int = 0) -> dict:
    key = jax.random.key(seed)
    k1, k2, k3, k4 = jax.random.split(key, 4)
    input_ids = jax.random.randint(k1, (1024, 20), 0, VOCAB, dtype=jnp.int64) if jax.config.jax_enable_x64 else jax.random.randint(k1, (1024, 20), 0, VOCAB, dtype=jnp.int32)
    base_weight = jax.random.normal(k2, (VOCAB, DIM), dtype=jnp.float32) * 0.02
    # Original module inits lora_A to zeros; use small random values so the
    # computation is numerically non-degenerate while keeping the same math.
    lora_A = jax.random.normal(k3, (RANK, VOCAB), dtype=jnp.float32) * 0.01
    lora_B = jax.random.normal(k4, (DIM, RANK), dtype=jnp.float32)
    return {"input_ids": input_ids, "base_weight": base_weight, "lora_A": lora_A, "lora_B": lora_B}


def reference(input_ids, base_weight, lora_A, lora_B):
    # base_output = base_layer(input_ids)
    base_output = jnp.take(base_weight, input_ids, axis=0)
    # lora_output = F.embedding(input_ids, (lora_B @ lora_A).T)
    lora_table = (lora_B @ lora_A).T  # [VOCAB, DIM]
    lora_output = jnp.take(lora_table, input_ids, axis=0)
    return base_output + lora_output * SCALING

if __name__ == "__main__":
    import jax
    _d = setup_inputs()
    print(jax.jit(kernel)(*tuple(_d.values())))

</pallas_src>

<mosaic_0001>
#map = affine_map<(d0, d1) -> (0, 0)>
#map1 = affine_map<(d0, d1) -> (0)>
module attributes {stable_mosaic.version = 14 : i64} {
  func.func @_sc_gathers(%arg0: i32, %arg1: i32, %arg2: memref<100000x256xf32, #tpu.memory_space<hbm>>, %arg3: memref<100000x128xf32, #tpu.memory_space<hbm>>, %arg4: memref<10240xi32, #tpu.memory_space<hbm>>, %arg5: memref<10240x256xf32, #tpu.memory_space<hbm>>, %arg6: memref<10240x128xf32, #tpu.memory_space<hbm>>, %arg7: memref<320xi32, #tpu.memory_space<vmem>>, %arg8: memref<2x80x256xf32, #tpu.memory_space<vmem>>, %arg9: memref<2x80x128xf32, #tpu.memory_space<vmem>>, %arg10: memref<!tpu.dma_semaphore, #tpu.memory_space<semaphore_mem>>, %arg11: memref<!tpu.dma_semaphore, #tpu.memory_space<semaphore_mem>>, %arg12: memref<!tpu.dma_semaphore, #tpu.memory_space<semaphore_mem>>, %arg13: memref<!tpu.dma_semaphore, #tpu.memory_space<semaphore_mem>>) attributes {dimension_semantics = [#tpu.dimension_semantics<core_parallel>, #tpu.dimension_semantics<subcore_parallel>], iteration_bounds = array<i64: 2, 16>, scalar_prefetch = 0 : i64, scratch_operands = 7 : i64, tpu.core_type = #tpu.core_type<sc_vector_subcore>, window_params = [{transform_indices = #map}, {transform_indices = #map}, {transform_indices = #map1}, {transform_indices = #map}, {transform_indices = #map}]} {
    %mul3A = arith.constant 2 : i32
    %mul3A_0 = arith.muli %arg1, %mul3A : i32
    %add3A = arith.addi %mul3A_0, %arg0 : i32
    %mul3A_1 = arith.constant 320 : i32
    %mul3A_2 = arith.muli %add3A, %mul3A_1 : i32
    "tpu.region"() ({
      %run_scoped3A = tpu.sem_alloc : memref<!tpu.dma_semaphore, #tpu.memory_space<semaphore_mem>>
      %dma_start3A_385 = tpu.memref_slice %arg4[%mul3A_2] : memref<10240xi32, #tpu.memory_space<hbm>> -> memref<320xi32, #tpu.memory_space<hbm>>
      %dma_start3A_386 = tpu.memref_slice %arg4[%mul3A_2] : memref<10240xi32, #tpu.memory_space<hbm>> -> memref<320xi32, #tpu.memory_space<hbm>>
      tpu.enqueue_dma source(%dma_start3A_386 : memref<320xi32, #tpu.memory_space<hbm>>) target(%arg7 : memref<320xi32, #tpu.memory_space<vmem>>) target_semaphore(%run_scoped3A : memref<!tpu.dma_semaphore, #tpu.memory_space<semaphore_mem>>)
      %dma_wait3A_387 = tpu.memref_slice %arg4[%mul3A_2] : memref<10240xi32, #tpu.memory_space<hbm>> -> memref<320xi32, #tpu.memory_space<hbm>>
      %dma_wait3A_388 = tpu.memref_slice %arg4[%mul3A_2] : memref<10240xi32, #tpu.memory_space<hbm>> -> memref<320xi32, #tpu.memory_space<hbm>>
      tpu.wait_dma2 semaphore(%run_scoped3A : memref<!tpu.dma_semaphore, #tpu.memory_space<semaphore_mem>>) src(%dma_wait3A_388 : memref<320xi32, #tpu.memory_space<hbm>>) dst(%arg7 : memref<320xi32, #tpu.memory_space<vmem>>)
      tpu.yield
    }) : () -> ()
    %dma_start3A = arith.constant 0 : i32
    %dma_start3A_3 = arith.constant 0 : i32
    %dma_start3A_4 = arith.constant 0 : i32
    %dma_start3A_5 = tpu.memref_slice %arg8[%dma_start3A, %dma_start3A_3, %dma_start3A_4] : memref<2x80x256xf32, #tpu.memory_space<vmem>> -> memref<1x80x256xf32, #tpu.memory_space<vmem>>
    %dma_start3A_6 = tpu.memref_squeeze %dma_start3A_5 : memref<1x80x256xf32, #tpu.memory_space<vmem>> -> memref<80x256xf32, #tpu.memory_space<vmem>>
    %dma_start3A_7 = arith.constant 0 : i32
    %dma_start3A_8 = tpu.memref_slice %arg7[%dma_start3A_7] : memref<320xi32, #tpu.memory_space<vmem>> -> memref<80xi32, #tpu.memory_space<vmem>>
    %dma_start3A_9 = arith.constant 0 : i32
    %dma_start3A_10 = arith.constant 0 : i32
    %dma_start3A_11 = tpu.memref_slice %arg2[%dma_start3A_9, %dma_start3A_10] : memref<100000x256xf32, #tpu.memory_space<hbm>> -> memref<100000x256xf32, #tpu.memory_space<hbm>>
    tpu.enqueue_indirect_dma source(%dma_start3A_11 : memref<100000x256xf32, #tpu.memory_space<hbm>>) target(%dma_start3A_6 : memref<80x256xf32, #tpu.memory_space<vmem>>) offsets(%dma_start3A_8 : memref<80xi32, #tpu.memory_space<vmem>>) semaphore(%arg10 : memref<!tpu.dma_semaphore, #tpu.memory_space<semaphore_mem>>)
    %dma_start3A_12 = arith.constant 1 : i32
    %dma_start3A_13 = arith.constant 0 : i32
    %dma_start3A_14 = arith.constant 0 : i32
    %dma_start3A_15 = tpu.memref_slice %arg8[%dma_start3A_12, %dma_start3A_13, %dma_start3A_14] : memref<2x80x256xf32, #tpu.memory_space<vmem>> -> memref<1x80x256xf32, #tpu.memory_space<vmem>>
    %dma_start3A_16 = tpu.memref_squeeze %dma_start3A_15 : memref<1x80x256xf32, #tpu.memory_space<vmem>> -> memref<80x256xf32, #tpu.memory_space<vmem>>
    %dma_start3A_17 = arith.constant 80 : i32
    %dma_start3A_18 = tpu.memref_slice %arg7[%dma_start3A_17] : memref<320xi32, #tpu.memory_space<vmem>> -> memref<80xi32, #tpu.memory_space<vmem>>
    %dma_start3A_19 = arith.constant 0 : i32
    %dma_start3A_20 = arith.constant 0 : i32
    %dma_start3A_21 = tpu.memref_slice %arg2[%dma_start3A_19, %dma_start3A_20] : memref<100000x256xf32, #tpu.memory_space<hbm>> -> memref<100000x256xf32, #tpu.memory_space<hbm>>
    tpu.enqueue_indirect_dma source(%dma_start3A_21 : memref<100000x256xf32, #tpu.memory_space<hbm>>) target(%dma_start3A_16 : memref<80x256xf32, #tpu.memory_space<vmem>>) offsets(%dma_start3A_18 : memref<80xi32, #tpu.memory_space<vmem>>) semaphore(%arg11 : memref<!tpu.dma_semaphore, #tpu.memory_space<semaphore_mem>>)
    %dma_wait3A = arith.constant 0 : i32
    %dma_wait3A_22 = arith.constant 0 : i32
    %dma_wait3A_23 = arith.constant 0 : i32
    %dma_wait3A_24 = tpu.memref_slice %arg8[%dma_wait3A, %dma_wait3A_22, %dma_wait3A_23] : memref<2x80x256xf32, #tpu.memory_space<vmem>> -> memref<1x80x256xf32, #tpu.memory_space<vmem>>
    %dma_wait3A_25 = tpu.memref_squeeze %dma_wait3A_24 : memref<1x80x256xf32, #tpu.memory_space<vmem>> -> memref<80x256xf32, #tpu.memory_space<vmem>>
    %dma_wait3A_26 = arith.constant 0 : i32
    %dma_wait3A_27 = tpu.memref_slice %arg7[%dma_wait3A_26] : memref<320xi32, #tpu.memory_space<vmem>> -> memref<80xi32, #tpu.memory_space<vmem>>
    %dma_wait3A_28 = arith.constant 0 : i32
    %dma_wait3A_29 = arith.constant 0 : i32
    %dma_wait3A_30 = tpu.memref_slice %arg2[%dma_wait3A_28, %dma_wait3A_29] : memref<100000x256xf32, #tpu.memory_space<hbm>> -> memref<100000x256xf32, #tpu.memory_space<hbm>>
    tpu.wait_indirect_dma semaphore(%arg10 : memref<!tpu.dma_semaphore, #tpu.memory_space<semaphore_mem>>) src(%dma_wait3A_30 : memref<100000x256xf32, #tpu.memory_space<hbm>>) dst(%dma_wait3A_25 : memref<80x256xf32, #tpu.memory_space<vmem>>)
    %add3A_31 = arith.constant 0 : i32
    %add3A_32 = arith.addi %mul3A_2, %add3A_31 : i32
    %dma_start3A_33 = arith.constant 0 : i32
    %dma_start3A_34 = arith.constant 0 : i32
    %dma_start3A_35 = arith.constant 0 : i32
    %dma_start3A_36 = tpu.memref_slice %arg8[%dma_start3A_33, %dma_start3A_34, %dma_start3A_35] : memref<2x80x256xf32, #tpu.memory_space<vmem>> -> memref<1x80x256xf32, #tpu.memory_space<vmem>>
    %dma_start3A_37 = tpu.memref_squeeze %dma_start3A_36 : memref<1x80x256xf32, #tpu.memory_space<vmem>> -> memref<80x256xf32, #tpu.memory_space<vmem>>
    %dma_start3A_38 = arith.constant 0 : i32
    %dma_start3A_39 = tpu.memref_slice %arg5[%add3A_32, %dma_start3A_38] : memref<10240x256xf32, #tpu.memory_space<hbm>> -> memref<80x256xf32, #tpu.memory_space<hbm>>
    %dma_start3A_40 = arith.constant 0 : i32
    %dma_start3A_41 = tpu.memref_slice %arg5[%add3A_32, %dma_start3A_40] : memref<10240x256xf32, #tpu.memory_space<hbm>> -> memref<80x256xf32, #tpu.memory_space<hbm>>
    %dma_start3A_42 = arith.constant 0 : i32
    %dma_start3A_43 = arith.constant 0 : i32
    %dma_start3A_44 = tpu.memref_slice %arg8[%dma_start3A_33, %dma_start3A_42, %dma_start3A_43] : memref<2x80x256xf32, #tpu.memory_space<vmem>> -> memref<1x80x256xf32, #tpu.memory_space<vmem>>
    %dma_start3A_45 = tpu.memref_squeeze %dma_start3A_44 : memref<1x80x256xf32, #tpu.memory_space<vmem>> -> memref<80x256xf32, #tpu.memory_space<vmem>>
    tpu.enqueue_dma source(%dma_start3A_45 : memref<80x256xf32, #tpu.memory_space<vmem>>) target(%dma_start3A_41 : memref<80x256xf32, #tpu.memory_space<hbm>>) target_semaphore(%arg12 : memref<!tpu.dma_semaphore, #tpu.memory_space<semaphore_mem>>)
    %dma_wait3A_46 = arith.constant 0 : i32
    %dma_wait3A_47 = arith.constant 0 : i32
    %dma_wait3A_48 = arith.constant 0 : i32
    %dma_wait3A_49 = tpu.memref_slice %arg8[%dma_wait3A_46, %dma_wait3A_47, %dma_wait3A_48] : memref<2x80x256xf32, #tpu.memory_space<vmem>> -> memref<1x80x256xf32, #tpu.memory_space<vmem>>
    %dma_wait3A_50 = tpu.memref_squeeze %dma_wait3A_49 : memref<1x80x256xf32, #tpu.memory_space<vmem>> -> memref<80x256xf32, #tpu.memory_space<vmem>>
    %dma_wait3A_51 = arith.constant 0 : i32
    %dma_wait3A_52 = tpu.memref_slice %arg5[%add3A_32, %dma_wait3A_51] : memref<10240x256xf32, #tpu.memory_space<hbm>> -> memref<80x256xf32, #tpu.memory_space<hbm>>
    %dma_wait3A_53 = arith.constant 0 : i32
    %dma_wait3A_54 = tpu.memref_slice %arg5[%add3A_32, %dma_wait3A_53] : memref<10240x256xf32, #tpu.memory_space<hbm>> -> memref<80x256xf32, #tpu.memory_space<hbm>>
    %dma_wait3A_55 = arith.constant 0 : i32
    %dma_wait3A_56 = arith.constant 0 : i32
    %dma_wait3A_57 = tpu.memref_slice %arg8[%dma_wait3A_46, %dma_wait3A_55, %dma_wait3A_56] : memref<2x80x256xf32, #tpu.memory_space<vmem>> -> memref<1x80x256xf32, #tpu.memory_space<vmem>>
    %dma_wait3A_58 = tpu.memref_squeeze %dma_wait3A_57 : memref<1x80x256xf32, #tpu.memory_space<vmem>> -> memref<80x256xf32, #tpu.memory_space<vmem>>
    tpu.wait_dma2 semaphore(%arg12 : memref<!tpu.dma_semaphore, #tpu.memory_space<semaphore_mem>>) src(%dma_wait3A_58 : memref<80x256xf32, #tpu.memory_space<vmem>>) dst(%dma_wait3A_54 : memref<80x256xf32, #tpu.memory_space<hbm>>)
    %dma_start3A_59 = arith.constant 0 : i32
    %dma_start3A_60 = arith.constant 0 : i32
    %dma_start3A_61 = arith.constant 0 : i32
    %dma_start3A_62 = tpu.memref_slice %arg8[%dma_start3A_59, %dma_start3A_60, %dma_start3A_61] : memref<2x80x256xf32, #tpu.memory_space<vmem>> -> memref<1x80x256xf32, #tpu.memory_space<vmem>>
    %dma_start3A_63 = tpu.memref_squeeze %dma_start3A_62 : memref<1x80x256xf32, #tpu.memory_space<vmem>> -> memref<80x256xf32, #tpu.memory_space<vmem>>
    %dma_start3A_64 = arith.constant 160 : i32
    %dma_start3A_65 = tpu.memref_slice %arg7[%dma_start3A_64] : memref<320xi32, #tpu.memory_space<vmem>> -> memref<80xi32, #tpu.memory_space<vmem>>
    %dma_start3A_66 = arith.constant 0 : i32
    %dma_start3A_67 = arith.constant 0 : i32
    %dma_start3A_68 = tpu.memref_slice %arg2[%dma_start3A_66, %dma_start3A_67] : memref<100000x256xf32, #tpu.memory_space<hbm>> -> memref<100000x256xf32, #tpu.memory_space<hbm>>
    tpu.enqueue_indirect_dma source(%dma_start3A_68 : memref<100000x256xf32, #tpu.memory_space<hbm>>) target(%dma_start3A_63 : memref<80x256xf32, #tpu.memory_space<vmem>>) offsets(%dma_start3A_65 : memref<80xi32, #tpu.memory_space<vmem>>) semaphore(%arg10 : memref<!tpu.dma_semaphore, #tpu.memory_space<semaphore_mem>>)
    %dma_wait3A_69 = arith.constant 1 : i32
    %dma_wait3A_70 = arith.constant 0 : i32
    %dma_wait3A_71 = arith.constant 0 : i32
    %dma_wait3A_72 = tpu.memref_slice %arg8[%dma_wait3A_69, %dma_wait3A_70, %dma_wait3A_71] : memref<2x80x256xf32, #tpu.memory_space<vmem>> -> memref<1x80x256xf32, #tpu.memory_space<vmem>>
    %dma_wait3A_73 = tpu.memref_squeeze %dma_wait3A_72 : memref<1x80x256xf32, #tpu.memory_space<vmem>> -> memref<80x256xf32, #tpu.memory_space<vmem>>
    %dma_wait3A_74 = arith.constant 80 : i32
    %dma_wait3A_75 = tpu.memref_slice %arg7[%dma_wait3A_74] : memref<320xi32, #tpu.memory_space<vmem>> -> memref<80xi32, #tpu.memory_space<vmem>>
    %dma_wait3A_76 = arith.constant 0 : i32
    %dma_wait3A_77 = arith.constant 0 : i32
    %dma_wait3A_78 = tpu.memref_slice %arg2[%dma_wait3A_76, %dma_wait3A_77] : memref<100000x256xf32, #tpu.memory_space<hbm>> -> memref<100000x256xf32, #tpu.memory_space<hbm>>
    tpu.wait_indirect_dma semaphore(%arg11 : memref<!tpu.dma_semaphore, #tpu.memory_space<semaphore_mem>>) src(%dma_wait3A_78 : memref<100000x256xf32, #tpu.memory_space<hbm>>) dst(%dma_wait3A_73 : memref<80x256xf32, #tpu.memory_space<vmem>>)
    %add3A_79 = arith.constant 80 : i32
    %add3A_80 = arith.addi %mul3A_2, %add3A_79 : i32
    %dma_start3A_81 = arith.constant 1 : i32
    %dma_start3A_82 = arith.constant 0 : i32
    %dma_start3A_83 = arith.constant 0 : i32
    %dma_start3A_84 = tpu.memref_slice %arg8[%dma_start3A_81, %dma_start3A_82, %dma_start3A_83] : memref<2x80x256xf32, #tpu.memory_space<vmem>> -> memref<1x80x256xf32, #tpu.memory_space<vmem>>
    %dma_start3A_85 = tpu.memref_squeeze %dma_start3A_84 : memref<1x80x256xf32, #tpu.memory_space<vmem>> -> memref<80x256xf32, #tpu.memory_space<vmem>>
    %dma_start3A_86 = arith.constant 0 : i32
    %dma_start3A_87 = tpu.memref_slice %arg5[%add3A_80, %dma_start3A_86] : memref<10240x256xf32, #tpu.memory_space<hbm>> -> memref<80x256xf32, #tpu.memory_space<hbm>>
    %dma_start3A_88 = arith.constant 0 : i32
    %dma_start3A_89 = tpu.memref_slice %arg5[%add3A_80, %dma_start3A_88] : memref<10240x256xf32, #tpu.memory_space<hbm>> -> memref<80x256xf32, #tpu.memory_space<hbm>>
    %dma_start3A_90 = arith.constant 0 : i32
    %dma_start3A_91 = arith.constant 0 : i32
    %dma_start3A_92 = tpu.memref_slice %arg8[%dma_start3A_81, %dma_start3A_90, %dma_start3A_91] : memref<2x80x256xf32, #tpu.memory_space<vmem>> -> memref<1x80x256xf32, #tpu.memory_space<vmem>>
    %dma_start3A_93 = tpu.memref_squeeze %dma_start3A_92 : memref<1x80x256xf32, #tpu.memory_space<vmem>> -> memref<80x256xf32, #tpu.memory_space<vmem>>
    tpu.enqueue_dma source(%dma_start3A_93 : memref<80x256xf32, #tpu.memory_space<vmem>>) target(%dma_start3A_89 : memref<80x256xf32, #tpu.memory_space<hbm>>) target_semaphore(%arg13 : memref<!tpu.dma_semaphore, #tpu.memory_space<semaphore_mem>>)
    %dma_wait3A_94 = arith.constant 1 : i32
    %dma_wait3A_95 = arith.constant 0 : i32
    %dma_wait3A_96 = arith.constant 0 : i32
    %dma_wait3A_97 = tpu.memref_slice %arg8[%dma_wait3A_94, %dma_wait3A_95, %dma_wait3A_96] : memref<2x80x256xf32, #tpu.memory_space<vmem>> -> memref<1x80x256xf32, #tpu.memory_space<vmem>>
    %dma_wait3A_98 = tpu.memref_squeeze %dma_wait3A_97 : memref<1x80x256xf32, #tpu.memory_space<vmem>> -> memref<80x256xf32, #tpu.memory_space<vmem>>
    %dma_wait3A_99 = arith.constant 0 : i32
    %dma_wait3A_100 = tpu.memref_slice %arg5[%add3A_80, %dma_wait3A_99] : memref<10240x256xf32, #tpu.memory_space<hbm>> -> memref<80x256xf32, #tpu.memory_space<hbm>>
    %dma_wait3A_101 = arith.constant 0 : i32
    %dma_wait3A_102 = tpu.memref_slice %arg5[%add3A_80, %dma_wait3A_101] : memref<10240x256xf32, #tpu.memory_space<hbm>> -> memref<80x256xf32, #tpu.memory_space<hbm>>
    %dma_wait3A_103 = arith.constant 0 : i32
    %dma_wait3A_104 = arith.constant 0 : i32
    %dma_wait3A_105 = tpu.memref_slice %arg8[%dma_wait3A_94, %dma_wait3A_103, %dma_wait3A_104] : memref<2x80x256xf32, #tpu.memory_space<vmem>> -> memref<1x80x256xf32, #tpu.memory_space<vmem>>
    %dma_wait3A_106 = tpu.memref_squeeze %dma_wait3A_105 : memref<1x80x256xf32, #tpu.memory_space<vmem>> -> memref<80x256xf32, #tpu.memory_space<vmem>>
    tpu.wait_dma2 semaphore(%arg13 : memref<!tpu.dma_semaphore, #tpu.memory_space<semaphore_mem>>) src(%dma_wait3A_106 : memref<80x256xf32, #tpu.memory_space<vmem>>) dst(%dma_wait3A_102 : memref<80x256xf32, #tpu.memory_space<hbm>>)
    %dma_start3A_107 = arith.constant 1 : i32
    %dma_start3A_108 = arith.constant 0 : i32
    %dma_start3A_109 = arith.constant 0 : i32
    %dma_start3A_110 = tpu.memref_slice %arg8[%dma_start3A_107, %dma_start3A_108, %dma_start3A_109] : memref<2x80x256xf32, #tpu.memory_space<vmem>> -> memref<1x80x256xf32, #tpu.memory_space<vmem>>
    %dma_start3A_111 = tpu.memref_squeeze %dma_start3A_110 : memref<1x80x256xf32, #tpu.memory_space<vmem>> -> memref<80x256xf32, #tpu.memory_space<vmem>>
    %dma_start3A_112 = arith.constant 240 : i32
    %dma_start3A_113 = tpu.memref_slice %arg7[%dma_start3A_112] : memref<320xi32, #tpu.memory_space<vmem>> -> memref<80xi32, #tpu.memory_space<vmem>>
    %dma_start3A_114 = arith.constant 0 : i32
    %dma_start3A_115 = arith.constant 0 : i32
    %dma_start3A_116 = tpu.memref_slice %arg2[%dma_start3A_114, %dma_start3A_115] : memref<100000x256xf32, #tpu.memory_space<hbm>> -> memref<100000x256xf32, #tpu.memory_space<hbm>>
    tpu.enqueue_indirect_dma source(%dma_start3A_116 : memref<100000x256xf32, #tpu.memory_space<hbm>>) target(%dma_start3A_111 : memref<80x256xf32, #tpu.memory_space<vmem>>) offsets(%dma_start3A_113 : memref<80xi32, #tpu.memory_space<vmem>>) semaphore(%arg11 : memref<!tpu.dma_semaphore, #tpu.memory_space<semaphore_mem>>)
    %dma_wait3A_117 = arith.constant 0 : i32
    %dma_wait3A_118 = arith.constant 0 : i32
    %dma_wait3A_119 = arith.constant 0 : i32
    %dma_wait3A_120 = tpu.memref_slice %arg8[%dma_wait3A_117, %dma_wait3A_118, %dma_wait3A_119] : memref<2x80x256xf32, #tpu.memory_space<vmem>> -> memref<1x80x256xf32, #tpu.memory_space<vmem>>
    %dma_wait3A_121 = tpu.memref_squeeze %dma_wait3A_120 : memref<1x80x256xf32, #tpu.memory_space<vmem>> -> memref<80x256xf32, #tpu.memory_space<vmem>>
    %dma_wait3A_122 = arith.constant 160 : i32
    %dma_wait3A_123 = tpu.memref_slice %arg7[%dma_wait3A_122] : memref<320xi32, #tpu.memory_space<vmem>> -> memref<80xi32, #tpu.memory_space<vmem>>
    %dma_wait3A_124 = arith.constant 0 : i32
    %dma_wait3A_125 = arith.constant 0 : i32
    %dma_wait3A_126 = tpu.memref_slice %arg2[%dma_wait3A_124, %dma_wait3A_125] : memref<100000x256xf32, #tpu.memory_space<hbm>> -> memref<100000x256xf32, #tpu.memory_space<hbm>>
    tpu.wait_indirect_dma semaphore(%arg10 : memref<!tpu.dma_semaphore, #tpu.memory_space<semaphore_mem>>) src(%dma_wait3A_126 : memref<100000x256xf32, #tpu.memory_space<hbm>>) dst(%dma_wait3A_121 : memref<80x256xf32, #tpu.memory_space<vmem>>)
    %add3A_127 = arith.constant 160 : i32
    %add3A_128 = arith.addi %mul3A_2, %add3A_127 : i32
    %dma_start3A_129 = arith.constant 0 : i32
    %dma_start3A_130 = arith.constant 0 : i32
    %dma_start3A_131 = arith.constant 0 : i32
    %dma_start3A_132 = tpu.memref_slice %arg8[%dma_start3A_129, %dma_start3A_130, %dma_start3A_131] : memref<2x80x256xf32, #tpu.memory_space<vmem>> -> memref<1x80x256xf32, #tpu.memory_space<vmem>>
    %dma_start3A_133 = tpu.memref_squeeze %dma_start3A_132 : memref<1x80x256xf32, #tpu.memory_space<vmem>> -> memref<80x256xf32, #tpu.memory_space<vmem>>
    %dma_start3A_134 = arith.constant 0 : i32
    %dma_start3A_135 = tpu.memref_slice %arg5[%add3A_128, %dma_start3A_134] : memref<10240x256xf32, #tpu.memory_space<hbm>> -> memref<80x256xf32, #tpu.memory_space<hbm>>
    %dma_start3A_136 = arith.constant 0 : i32
    %dma_start3A_137 = tpu.memref_slice %arg5[%add3A_128, %dma_start3A_136] : memref<10240x256xf32, #tpu.memory_space<hbm>> -> memref<80x256xf32, #tpu.memory_space<hbm>>
    %dma_start3A_138 = arith.constant 0 : i32
    %dma_start3A_139 = arith.constant 0 : i32
    %dma_start3A_140 = tpu.memref_slice %arg8[%dma_start3A_129, %dma_start3A_138, %dma_start3A_139] : memref<2x80x256xf32, #tpu.memory_space<vmem>> -> memref<1x80x256xf32, #tpu.memory_space<vmem>>
    %dma_start3A_141 = tpu.memref_squeeze %dma_start3A_140 : memref<1x80x256xf32, #tpu.memory_space<vmem>> -> memref<80x256xf32, #tpu.memory_space<vmem>>
    tpu.enqueue_dma source(%dma_start3A_141 : memref<80x256xf32, #tpu.memory_space<vmem>>) target(%dma_start3A_137 : memref<80x256xf32, #tpu.memory_space<hbm>>) target_semaphore(%arg12 : memref<!tpu.dma_semaphore, #tpu.memory_space<semaphore_mem>>)
    %dma_wait3A_142 = arith.constant 1 : i32
    %dma_wait3A_143 = arith.constant 0 : i32
    %dma_wait3A_144 = arith.constant 0 : i32
    %dma_wait3A_145 = tpu.memref_slice %arg8[%dma_wait3A_142, %dma_wait3A_143, %dma_wait3A_144] : memref<2x80x256xf32, #tpu.memory_space<vmem>> -> memref<1x80x256xf32, #tpu.memory_space<vmem>>
    %dma_wait3A_146 = tpu.memref_squeeze %dma_wait3A_145 : memref<1x80x256xf32, #tpu.memory_space<vmem>> -> memref<80x256xf32, #tpu.memory_space<vmem>>
    %dma_wait3A_147 = arith.constant 240 : i32
    %dma_wait3A_148 = tpu.memref_slice %arg7[%dma_wait3A_147] : memref<320xi32, #tpu.memory_space<vmem>> -> memref<80xi32, #tpu.memory_space<vmem>>
    %dma_wait3A_149 = arith.constant 0 : i32
    %dma_wait3A_150 = arith.constant 0 : i32
    %dma_wait3A_151 = tpu.memref_slice %arg2[%dma_wait3A_149, %dma_wait3A_150] : memref<100000x256xf32, #tpu.memory_space<hbm>> -> memref<100000x256xf32, #tpu.memory_space<hbm>>
    tpu.wait_indirect_dma semaphore(%arg11 : memref<!tpu.dma_semaphore, #tpu.memory_space<semaphore_mem>>) src(%dma_wait3A_151 : memref<100000x256xf32, #tpu.memory_space<hbm>>) dst(%dma_wait3A_146 : memref<80x256xf32, #tpu.memory_space<vmem>>)
    %add3A_152 = arith.constant 240 : i32
    %add3A_153 = arith.addi %mul3A_2, %add3A_152 : i32
    %dma_start3A_154 = arith.constant 1 : i32
    %dma_start3A_155 = arith.constant 0 : i32
    %dma_start3A_156 = arith.constant 0 : i32
    %dma_start3A_157 = tpu.memref_slice %arg8[%dma_start3A_154, %dma_start3A_155, %dma_start3A_156] : memref<2x80x256xf32, #tpu.memory_space<vmem>> -> memref<1x80x256xf32, #tpu.memory_space<vmem>>
    %dma_start3A_158 = tpu.memref_squeeze %dma_start3A_157 : memref<1x80x256xf32, #tpu.memory_space<vmem>> -> memref<80x256xf32, #tpu.memory_space<vmem>>
    %dma_start3A_159 = arith.constant 0 : i32
    %dma_start3A_160 = tpu.memref_slice %arg5[%add3A_153, %dma_start3A_159] : memref<10240x256xf32, #tpu.memory_space<hbm>> -> memref<80x256xf32, #tpu.memory_space<hbm>>
    %dma_start3A_161 = arith.constant 0 : i32
    %dma_start3A_162 = tpu.memref_slice %arg5[%add3A_153, %dma_start3A_161] : memref<10240x256xf32, #tpu.memory_space<hbm>> -> memref<80x256xf32, #tpu.memory_space<hbm>>
    %dma_start3A_163 = arith.constant 0 : i32
    %dma_start3A_164 = arith.constant 0 : i32
    %dma_start3A_165 = tpu.memref_slice %arg8[%dma_start3A_154, %dma_start3A_163, %dma_start3A_164] : memref<2x80x256xf32, #tpu.memory_space<vmem>> -> memref<1x80x256xf32, #tpu.memory_space<vmem>>
    %dma_start3A_166 = tpu.memref_squeeze %dma_start3A_165 : memref<1x80x256xf32, #tpu.memory_space<vmem>> -> memref<80x256xf32, #tpu.memory_space<vmem>>
    tpu.enqueue_dma source(%dma_start3A_166 : memref<80x256xf32, #tpu.memory_space<vmem>>) target(%dma_start3A_162 : memref<80x256xf32, #tpu.memory_space<hbm>>) target_semaphore(%arg13 : memref<!tpu.dma_semaphore, #tpu.memory_space<semaphore_mem>>)
    %dma_wait3A_167 = arith.constant 0 : i32
    %dma_wait3A_168 = arith.constant 0 : i32
    %dma_wait3A_169 = arith.constant 0 : i32
    %dma_wait3A_170 = tpu.memref_slice %arg8[%dma_wait3A_167, %dma_wait3A_168, %dma_wait3A_169] : memref<2x80x256xf32, #tpu.memory_space<vmem>> -> memref<1x80x256xf32, #tpu.memory_space<vmem>>
    %dma_wait3A_171 = tpu.memref_squeeze %dma_wait3A_170 : memref<1x80x256xf32, #tpu.memory_space<vmem>> -> memref<80x256xf32, #tpu.memory_space<vmem>>
    %dma_wait3A_172 = arith.constant 0 : i32
    %dma_wait3A_173 = tpu.memref_slice %arg5[%add3A_128, %dma_wait3A_172] : memref<10240x256xf32, #tpu.memory_space<hbm>> -> memref<80x256xf32, #tpu.memory_space<hbm>>
    %dma_wait3A_174 = arith.constant 0 : i32
    %dma_wait3A_175 = tpu.memref_slice %arg5[%add3A_128, %dma_wait3A_174] : memref<10240x256xf32, #tpu.memory_space<hbm>> -> memref<80x256xf32, #tpu.memory_space<hbm>>
    %dma_wait3A_176 = arith.constant 0 : i32
    %dma_wait3A_177 = arith.constant 0 : i32
    %dma_wait3A_178 = tpu.memref_slice %arg8[%dma_wait3A_167, %dma_wait3A_176, %dma_wait3A_177] : memref<2x80x256xf32, #tpu.memory_space<vmem>> -> memref<1x80x256xf32, #tpu.memory_space<vmem>>
    %dma_wait3A_179 = tpu.memref_squeeze %dma_wait3A_178 : memref<1x80x256xf32, #tpu.memory_space<vmem>> -> memref<80x256xf32, #tpu.memory_space<vmem>>
    tpu.wait_dma2 semaphore(%arg12 : memref<!tpu.dma_semaphore, #tpu.memory_space<semaphore_mem>>) src(%dma_wait3A_179 : memref<80x256xf32, #tpu.memory_space<vmem>>) dst(%dma_wait3A_175 : memref<80x256xf32, #tpu.memory_space<hbm>>)
    %dma_wait3A_180 = arith.constant 1 : i32
    %dma_wait3A_181 = arith.constant 0 : i32
    %dma_wait3A_182 = arith.constant 0 : i32
    %dma_wait3A_183 = tpu.memref_slice %arg8[%dma_wait3A_180, %dma_wait3A_181, %dma_wait3A_182] : memref<2x80x256xf32, #tpu.memory_space<vmem>> -> memref<1x80x256xf32, #tpu.memory_space<vmem>>
    %dma_wait3A_184 = tpu.memref_squeeze %dma_wait3A_183 : memref<1x80x256xf32, #tpu.memory_space<vmem>> -> memref<80x256xf32, #tpu.memory_space<vmem>>
    %dma_wait3A_185 = arith.constant 0 : i32
    %dma_wait3A_186 = tpu.memref_slice %arg5[%add3A_153, %dma_wait3A_185] : memref<10240x256xf32, #tpu.memory_space<hbm>> -> memref<80x256xf32, #tpu.memory_space<hbm>>
    %dma_wait3A_187 = arith.constant 0 : i32
    %dma_wait3A_188 = tpu.memref_slice %arg5[%add3A_153, %dma_wait3A_187] : memref<10240x256xf32, #tpu.memory_space<hbm>> -> memref<80x256xf32, #tpu.memory_space<hbm>>
    %dma_wait3A_189 = arith.constant 0 : i32
    %dma_wait3A_190 = arith.constant 0 : i32
    %dma_wait3A_191 = tpu.memref_slice %arg8[%dma_wait3A_180, %dma_wait3A_189, %dma_wait3A_190] : memref<2x80x256xf32, #tpu.memory_space<vmem>> -> memref<1x80x256xf32, #tpu.memory_space<vmem>>
    %dma_wait3A_192 = tpu.memref_squeeze %dma_wait3A_191 : memref<1x80x256xf32, #tpu.memory_space<vmem>> -> memref<80x256xf32, #tpu.memory_space<vmem>>
    tpu.wait_dma2 semaphore(%arg13 : memref<!tpu.dma_semaphore, #tpu.memory_space<semaphore_mem>>) src(%dma_wait3A_192 : memref<80x256xf32, #tpu.memory_space<vmem>>) dst(%dma_wait3A_188 : memref<80x256xf32, #tpu.memory_space<hbm>>)
    %dma_start3A_193 = arith.constant 0 : i32
    %dma_start3A_194 = arith.constant 0 : i32
    %dma_start3A_195 = arith.constant 0 : i32
    %dma_start3A_196 = tpu.memref_slice %arg9[%dma_start3A_193, %dma_start3A_194, %dma_start3A_195] : memref<2x80x128xf32, #tpu.memory_space<vmem>> -> memref<1x80x128xf32, #tpu.memory_space<vmem>>
    %dma_start3A_197 = tpu.memref_squeeze %dma_start3A_196 : memref<1x80x128xf32, #tpu.memory_space<vmem>> -> memref<80x128xf32, #tpu.memory_space<vmem>>
    %dma_start3A_198 = arith.constant 0 : i32
    %dma_start3A_199 = tpu.memref_slice %arg7[%dma_start3A_198] : memref<320xi32, #tpu.memory_space<vmem>> -> memref<80xi32, #tpu.memory_space<vmem>>
    %dma_start3A_200 = arith.constant 0 : i32
    %dma_start3A_201 = arith.constant 0 : i32
    %dma_start3A_202 = tpu.memref_slice %arg3[%dma_start3A_200, %dma_start3A_201] : memref<100000x128xf32, #tpu.memory_space<hbm>> -> memref<100000x128xf32, #tpu.memory_space<hbm>>
    tpu.enqueue_indirect_dma source(%dma_start3A_202 : memref<100000x128xf32, #tpu.memory_space<hbm>>) target(%dma_start3A_197 : memref<80x128xf32, #tpu.memory_space<vmem>>) offsets(%dma_start3A_199 : memref<80xi32, #tpu.memory_space<vmem>>) semaphore(%arg10 : memref<!tpu.dma_semaphore, #tpu.memory_space<semaphore_mem>>)
    %dma_start3A_203 = arith.constant 1 : i32
    %dma_start3A_204 = arith.constant 0 : i32
    %dma_start3A_205 = arith.constant 0 : i32
    %dma_start3A_206 = tpu.memref_slice %arg9[%dma_start3A_203, %dma_start3A_204, %dma_start3A_205] : memref<2x80x128xf32, #tpu.memory_space<vmem>> -> memref<1x80x128xf32, #tpu.memory_space<vmem>>
    %dma_start3A_207 = tpu.memref_squeeze %dma_start3A_206 : memref<1x80x128xf32, #tpu.memory_space<vmem>> -> memref<80x128xf32, #tpu.memory_space<vmem>>
    %dma_start3A_208 = arith.constant 80 : i32
    %dma_start3A_209 = tpu.memref_slice %arg7[%dma_start3A_208] : memref<320xi32, #tpu.memory_space<vmem>> -> memref<80xi32, #tpu.memory_space<vmem>>
    %dma_start3A_210 = arith.constant 0 : i32
    %dma_start3A_211 = arith.constant 0 : i32
    %dma_start3A_212 = tpu.memref_slice %arg3[%dma_start3A_210, %dma_start3A_211] : memref<100000x128xf32, #tpu.memory_space<hbm>> -> memref<100000x128xf32, #tpu.memory_space<hbm>>
    tpu.enqueue_indirect_dma source(%dma_start3A_212 : memref<100000x128xf32, #tpu.memory_space<hbm>>) target(%dma_start3A_207 : memref<80x128xf32, #tpu.memory_space<vmem>>) offsets(%dma_start3A_209 : memref<80xi32, #tpu.memory_space<vmem>>) semaphore(%arg11 : memref<!tpu.dma_semaphore, #tpu.memory_space<semaphore_mem>>)
    %dma_wait3A_213 = arith.constant 0 : i32
    %dma_wait3A_214 = arith.constant 0 : i32
    %dma_wait3A_215 = arith.constant 0 : i32
    %dma_wait3A_216 = tpu.memref_slice %arg9[%dma_wait3A_213, %dma_wait3A_214, %dma_wait3A_215] : memref<2x80x128xf32, #tpu.memory_space<vmem>> -> memref<1x80x128xf32, #tpu.memory_space<vmem>>
    %dma_wait3A_217 = tpu.memref_squeeze %dma_wait3A_216 : memref<1x80x128xf32, #tpu.memory_space<vmem>> -> memref<80x128xf32, #tpu.memory_space<vmem>>
    %dma_wait3A_218 = arith.constant 0 : i32
    %dma_wait3A_219 = tpu.memref_slice %arg7[%dma_wait3A_218] : memref<320xi32, #tpu.memory_space<vmem>> -> memref<80xi32, #tpu.memory_space<vmem>>
    %dma_wait3A_220 = arith.constant 0 : i32
    %dma_wait3A_221 = arith.constant 0 : i32
    %dma_wait3A_222 = tpu.memref_slice %arg3[%dma_wait3A_220, %dma_wait3A_221] : memref<100000x128xf32, #tpu.memory_space<hbm>> -> memref<100000x128xf32, #tpu.memory_space<hbm>>
    tpu.wait_indirect_dma semaphore(%arg10 : memref<!tpu.dma_semaphore, #tpu.memory_space<semaphore_mem>>) src(%dma_wait3A_222 : memref<100000x128xf32, #tpu.memory_space<hbm>>) dst(%dma_wait3A_217 : memref<80x128xf32, #tpu.memory_space<vmem>>)
    %add3A_223 = arith.constant 0 : i32
    %add3A_224 = arith.addi %mul3A_2, %add3A_223 : i32
    %dma_start3A_225 = arith.constant 0 : i32
    %dma_start3A_226 = arith.constant 0 : i32
    %dma_start3A_227 = arith.constant 0 : i32
    %dma_start3A_228 = tpu.memref_slice %arg9[%dma_start3A_225, %dma_start3A_226, %dma_start3A_227] : memref<2x80x128xf32, #tpu.memory_space<vmem>> -> memref<1x80x128xf32, #tpu.memory_space<vmem>>
    %dma_start3A_229 = tpu.memref_squeeze %dma_start3A_228 : memref<1x80x128xf32, #tpu.memory_space<vmem>> -> memref<80x128xf32, #tpu.memory_space<vmem>>
    %dma_start3A_230 = arith.constant 0 : i32
    %dma_start3A_231 = tpu.memref_slice %arg6[%add3A_224, %dma_start3A_230] : memref<10240x128xf32, #tpu.memory_space<hbm>> -> memref<80x128xf32, #tpu.memory_space<hbm>>
    %dma_start3A_232 = arith.constant 0 : i32
    %dma_start3A_233 = tpu.memref_slice %arg6[%add3A_224, %dma_start3A_232] : memref<10240x128xf32, #tpu.memory_space<hbm>> -> memref<80x128xf32, #tpu.memory_space<hbm>>
    %dma_start3A_234 = arith.constant 0 : i32
    %dma_start3A_235 = arith.constant 0 : i32
    %dma_start3A_236 = tpu.memref_slice %arg9[%dma_start3A_225, %dma_start3A_234, %dma_start3A_235] : memref<2x80x128xf32, #tpu.memory_space<vmem>> -> memref<1x80x128xf32, #tpu.memory_space<vmem>>
    %dma_start3A_237 = tpu.memref_squeeze %dma_start3A_236 : memref<1x80x128xf32, #tpu.memory_space<vmem>> -> memref<80x128xf32, #tpu.memory_space<vmem>>
    tpu.enqueue_dma source(%dma_start3A_237 : memref<80x128xf32, #tpu.memory_space<vmem>>) target(%dma_start3A_233 : memref<80x128xf32, #tpu.memory_space<hbm>>) target_semaphore(%arg12 : memref<!tpu.dma_semaphore, #tpu.memory_space<semaphore_mem>>)
    %dma_wait3A_238 = arith.constant 0 : i32
    %dma_wait3A_239 = arith.constant 0 : i32
    %dma_wait3A_240 = arith.constant 0 : i32
    %dma_wait3A_241 = tpu.memref_slice %arg9[%dma_wait3A_238, %dma_wait3A_239, %dma_wait3A_240] : memref<2x80x128xf32, #tpu.memory_space<vmem>> -> memref<1x80x128xf32, #tpu.memory_space<vmem>>
    %dma_wait3A_242 = tpu.memref_squeeze %dma_wait3A_241 : memref<1x80x128xf32, #tpu.memory_space<vmem>> -> memref<80x128xf32, #tpu.memory_space<vmem>>
    %dma_wait3A_243 = arith.constant 0 : i32
    %dma_wait3A_244 = tpu.memref_slice %arg6[%add3A_224, %dma_wait3A_243] : memref<10240x128xf32, #tpu.memory_space<hbm>> -> memref<80x128xf32, #tpu.memory_space<hbm>>
    %dma_wait3A_245 = arith.constant 0 : i32
    %dma_wait3A_246 = tpu.memref_slice %arg6[%add3A_224, %dma_wait3A_245] : memref<10240x128xf32, #tpu.memory_space<hbm>> -> memref<80x128xf32, #tpu.memory_space<hbm>>
    %dma_wait3A_247 = arith.constant 0 : i32
    %dma_wait3A_248 = arith.constant 0 : i32
    %dma_wait3A_249 = tpu.memref_slice %arg9[%dma_wait3A_238, %dma_wait3A_247, %dma_wait3A_248] : memref<2x80x128xf32, #tpu.memory_space<vmem>> -> memref<1x80x128xf32, #tpu.memory_space<vmem>>
    %dma_wait3A_250 = tpu.memref_squeeze %dma_wait3A_249 : memref<1x80x128xf32, #tpu.memory_space<vmem>> -> memref<80x128xf32, #tpu.memory_space<vmem>>
    tpu.wait_dma2 semaphore(%arg12 : memref<!tpu.dma_semaphore, #tpu.memory_space<semaphore_mem>>) src(%dma_wait3A_250 : memref<80x128xf32, #tpu.memory_space<vmem>>) dst(%dma_wait3A_246 : memref<80x128xf32, #tpu.memory_space<hbm>>)
    %dma_start3A_251 = arith.constant 0 : i32
    %dma_start3A_252 = arith.constant 0 : i32
    %dma_start3A_253 = arith.constant 0 : i32
    %dma_start3A_254 = tpu.memref_slice %arg9[%dma_start3A_251, %dma_start3A_252, %dma_start3A_253] : memref<2x80x128xf32, #tpu.memory_space<vmem>> -> memref<1x80x128xf32, #tpu.memory_space<vmem>>
    %dma_start3A_255 = tpu.memref_squeeze %dma_start3A_254 : memref<1x80x128xf32, #tpu.memory_space<vmem>> -> memref<80x128xf32, #tpu.memory_space<vmem>>
    %dma_start3A_256 = arith.constant 160 : i32
    %dma_start3A_257 = tpu.memref_slice %arg7[%dma_start3A_256] : memref<320xi32, #tpu.memory_space<vmem>> -> memref<80xi32, #tpu.memory_space<vmem>>
    %dma_start3A_258 = arith.constant 0 : i32
    %dma_start3A_259 = arith.constant 0 : i32
    %dma_start3A_260 = tpu.memref_slice %arg3[%dma_start3A_258, %dma_start3A_259] : memref<100000x128xf32, #tpu.memory_space<hbm>> -> memref<100000x128xf32, #tpu.memory_space<hbm>>
    tpu.enqueue_indirect_dma source(%dma_start3A_260 : memref<100000x128xf32, #tpu.memory_space<hbm>>) target(%dma_start3A_255 : memref<80x128xf32, #tpu.memory_space<vmem>>) offsets(%dma_start3A_257 : memref<80xi32, #tpu.memory_space<vmem>>) semaphore(%arg10 : memref<!tpu.dma_semaphore, #tpu.memory_space<semaphore_mem>>)
    %dma_wait3A_261 = arith.constant 1 : i32
    %dma_wait3A_262 = arith.constant 0 : i32
    %dma_wait3A_263 = arith.constant 0 : i32
    %dma_wait3A_264 = tpu.memref_slice %arg9[%dma_wait3A_261, %dma_wait3A_262, %dma_wait3A_263] : memref<2x80x128xf32, #tpu.memory_space<vmem>> -> memref<1x80x128xf32, #tpu.memory_space<vmem>>
    %dma_wait3A_265 = tpu.memref_squeeze %dma_wait3A_264 : memref<1x80x128xf32, #tpu.memory_space<vmem>> -> memref<80x128xf32, #tpu.memory_space<vmem>>
    %dma_wait3A_266 = arith.constant 80 : i32
    %dma_wait3A_267 = tpu.memref_slice %arg7[%dma_wait3A_266] : memref<320xi32, #tpu.memory_space<vmem>> -> memref<80xi32, #tpu.memory_space<vmem>>
    %dma_wait3A_268 = arith.constant 0 : i32
    %dma_wait3A_269 = arith.constant 0 : i32
    %dma_wait3A_270 = tpu.memref_slice %arg3[%dma_wait3A_268, %dma_wait3A_269] : memref<100000x128xf32, #tpu.memory_space<hbm>> -> memref<100000x128xf32, #tpu.memory_space<hbm>>
    tpu.wait_indirect_dma semaphore(%arg11 : memref<!tpu.dma_semaphore, #tpu.memory_space<semaphore_mem>>) src(%dma_wait3A_270 : memref<100000x128xf32, #tpu.memory_space<hbm>>) dst(%dma_wait3A_265 : memref<80x128xf32, #tpu.memory_space<vmem>>)
    %add3A_271 = arith.constant 80 : i32
    %add3A_272 = arith.addi %mul3A_2, %add3A_271 : i32
    %dma_start3A_273 = arith.constant 1 : i32
    %dma_start3A_274 = arith.constant 0 : i32
    %dma_start3A_275 = arith.constant 0 : i32
    %dma_start3A_276 = tpu.memref_slice %arg9[%dma_start3A_273, %dma_start3A_274, %dma_start3A_275] : memref<2x80x128xf32, #tpu.memory_space<vmem>> -> memref<1x80x128xf32, #tpu.memory_space<vmem>>
    %dma_start3A_277 = tpu.memref_squeeze %dma_start3A_276 : memref<1x80x128xf32, #tpu.memory_space<vmem>> -> memref<80x128xf32, #tpu.memory_space<vmem>>
    %dma_start3A_278 = arith.constant 0 : i32
    %dma_start3A_279 = tpu.memref_slice %arg6[%add3A_272, %dma_start3A_278] : memref<10240x128xf32, #tpu.memory_space<hbm>> -> memref<80x128xf32, #tpu.memory_space<hbm>>
    %dma_start3A_280 = arith.constant 0 : i32
    %dma_start3A_281 = tpu.memref_slice %arg6[%add3A_272, %dma_start3A_280] : memref<10240x128xf32, #tpu.memory_space<hbm>> -> memref<80x128xf32, #tpu.memory_space<hbm>>
    %dma_start3A_282 = arith.constant 0 : i32
    %dma_start3A_283 = arith.constant 0 : i32
    %dma_start3A_284 = tpu.memref_slice %arg9[%dma_start3A_273, %dma_start3A_282, %dma_start3A_283] : memref<2x80x128xf32, #tpu.memory_space<vmem>> -> memref<1x80x128xf32, #tpu.memory_space<vmem>>
    %dma_start3A_285 = tpu.memref_squeeze %dma_start3A_284 : memref<1x80x128xf32, #tpu.memory_space<vmem>> -> memref<80x128xf32, #tpu.memory_space<vmem>>
    tpu.enqueue_dma source(%dma_start3A_285 : memref<80x128xf32, #tpu.memory_space<vmem>>) target(%dma_start3A_281 : memref<80x128xf32, #tpu.memory_space<hbm>>) target_semaphore(%arg13 : memref<!tpu.dma_semaphore, #tpu.memory_space<semaphore_mem>>)
    %dma_wait3A_286 = arith.constant 1 : i32
    %dma_wait3A_287 = arith.constant 0 : i32
    %dma_wait3A_288 = arith.constant 0 : i32
    %dma_wait3A_289 = tpu.memref_slice %arg9[%dma_wait3A_286, %dma_wait3A_287, %dma_wait3A_288] : memref<2x80x128xf32, #tpu.memory_space<vmem>> -> memref<1x80x128xf32, #tpu.memory_space<vmem>>
    %dma_wait3A_290 = tpu.memref_squeeze %dma_wait3A_289 : memref<1x80x128xf32, #tpu.memory_space<vmem>> -> memref<80x128xf32, #tpu.memory_space<vmem>>
    %dma_wait3A_291 = arith.constant 0 : i32
    %dma_wait3A_292 = tpu.memref_slice %arg6[%add3A_272, %dma_wait3A_291] : memref<10240x128xf32, #tpu.memory_space<hbm>> -> memref<80x128xf32, #tpu.memory_space<hbm>>
    %dma_wait3A_293 = arith.constant 0 : i32
    %dma_wait3A_294 = tpu.memref_slice %arg6[%add3A_272, %dma_wait3A_293] : memref<10240x128xf32, #tpu.memory_space<hbm>> -> memref<80x128xf32, #tpu.memory_space<hbm>>
    %dma_wait3A_295 = arith.constant 0 : i32
    %dma_wait3A_296 = arith.constant 0 : i32
    %dma_wait3A_297 = tpu.memref_slice %arg9[%dma_wait3A_286, %dma_wait3A_295, %dma_wait3A_296] : memref<2x80x128xf32, #tpu.memory_space<vmem>> -> memref<1x80x128xf32, #tpu.memory_space<vmem>>
    %dma_wait3A_298 = tpu.memref_squeeze %dma_wait3A_297 : memref<1x80x128xf32, #tpu.memory_space<vmem>> -> memref<80x128xf32, #tpu.memory_space<vmem>>
    tpu.wait_dma2 semaphore(%arg13 : memref<!tpu.dma_semaphore, #tpu.memory_space<semaphore_mem>>) src(%dma_wait3A_298 : memref<80x128xf32, #tpu.memory_space<vmem>>) dst(%dma_wait3A_294 : memref<80x128xf32, #tpu.memory_space<hbm>>)
    %dma_start3A_299 = arith.constant 1 : i32
    %dma_start3A_300 = arith.constant 0 : i32
    %dma_start3A_301 = arith.constant 0 : i32
    %dma_start3A_302 = tpu.memref_slice %arg9[%dma_start3A_299, %dma_start3A_300, %dma_start3A_301] : memref<2x80x128xf32, #tpu.memory_space<vmem>> -> memref<1x80x128xf32, #tpu.memory_space<vmem>>
    %dma_start3A_303 = tpu.memref_squeeze %dma_start3A_302 : memref<1x80x128xf32, #tpu.memory_space<vmem>> -> memref<80x128xf32, #tpu.memory_space<vmem>>
    %dma_start3A_304 = arith.constant 240 : i32
    %dma_start3A_305 = tpu.memref_slice %arg7[%dma_start3A_304] : memref<320xi32, #tpu.memory_space<vmem>> -> memref<80xi32, #tpu.memory_space<vmem>>
    %dma_start3A_306 = arith.constant 0 : i32
    %dma_start3A_307 = arith.constant 0 : i32
    %dma_start3A_308 = tpu.memref_slice %arg3[%dma_start3A_306, %dma_start3A_307] : memref<100000x128xf32, #tpu.memory_space<hbm>> -> memref<100000x128xf32, #tpu.memory_space<hbm>>
    tpu.enqueue_indirect_dma source(%dma_start3A_308 : memref<100000x128xf32, #tpu.memory_space<hbm>>) target(%dma_start3A_303 : memref<80x128xf32, #tpu.memory_space<vmem>>) offsets(%dma_start3A_305 : memref<80xi32, #tpu.memory_space<vmem>>) semaphore(%arg11 : memref<!tpu.dma_semaphore, #tpu.memory_space<semaphore_mem>>)
    %dma_wait3A_309 = arith.constant 0 : i32
    %dma_wait3A_310 = arith.constant 0 : i32
    %dma_wait3A_311 = arith.constant 0 : i32
    %dma_wait3A_312 = tpu.memref_slice %arg9[%dma_wait3A_309, %dma_wait3A_310, %dma_wait3A_311] : memref<2x80x128xf32, #tpu.memory_space<vmem>> -> memref<1x80x128xf32, #tpu.memory_space<vmem>>
    %dma_wait3A_313 = tpu.memref_squeeze %dma_wait3A_312 : memref<1x80x128xf32, #tpu.memory_space<vmem>> -> memref<80x128xf32, #tpu.memory_space<vmem>>
    %dma_wait3A_314 = arith.constant 160 : i32
    %dma_wait3A_315 = tpu.memref_slice %arg7[%dma_wait3A_314] : memref<320xi32, #tpu.memory_space<vmem>> -> memref<80xi32, #tpu.memory_space<vmem>>
    %dma_wait3A_316 = arith.constant 0 : i32
    %dma_wait3A_317 = arith.constant 0 : i32
    %dma_wait3A_318 = tpu.memref_slice %arg3[%dma_wait3A_316, %dma_wait3A_317] : memref<100000x128xf32, #tpu.memory_space<hbm>> -> memref<100000x128xf32, #tpu.memory_space<hbm>>
    tpu.wait_indirect_dma semaphore(%arg10 : memref<!tpu.dma_semaphore, #tpu.memory_space<semaphore_mem>>) src(%dma_wait3A_318 : memref<100000x128xf32, #tpu.memory_space<hbm>>) dst(%dma_wait3A_313 : memref<80x128xf32, #tpu.memory_space<vmem>>)
    %add3A_319 = arith.constant 160 : i32
    %add3A_320 = arith.addi %mul3A_2, %add3A_319 : i32
    %dma_start3A_321 = arith.constant 0 : i32
    %dma_start3A_322 = arith.constant 0 : i32
    %dma_start3A_323 = arith.constant 0 : i32
    %dma_start3A_324 = tpu.memref_slice %arg9[%dma_start3A_321, %dma_start3A_322, %dma_start3A_323] : memref<2x80x128xf32, #tpu.memory_space<vmem>> -> memref<1x80x128xf32, #tpu.memory_space<vmem>>
    %dma_start3A_325 = tpu.memref_squeeze %dma_start3A_324 : memref<1x80x128xf32, #tpu.memory_space<vmem>> -> memref<80x128xf32, #tpu.memory_space<vmem>>
    %dma_start3A_326 = arith.constant 0 : i32
    %dma_start3A_327 = tpu.memref_slice %arg6[%add3A_320, %dma_start3A_326] : memref<10240x128xf32, #tpu.memory_space<hbm>> -> memref<80x128xf32, #tpu.memory_space<hbm>>
    %dma_start3A_328 = arith.constant 0 : i32
    %dma_start3A_329 = tpu.memref_slice %arg6[%add3A_320, %dma_start3A_328] : memref<10240x128xf32, #tpu.memory_space<hbm>> -> memref<80x128xf32, #tpu.memory_space<hbm>>
    %dma_start3A_330 = arith.constant 0 : i32
    %dma_start3A_331 = arith.constant 0 : i32
    %dma_start3A_332 = tpu.memref_slice %arg9[%dma_start3A_321, %dma_start3A_330, %dma_start3A_331] : memref<2x80x128xf32, #tpu.memory_space<vmem>> -> memref<1x80x128xf32, #tpu.memory_space<vmem>>
    %dma_start3A_333 = tpu.memref_squeeze %dma_start3A_332 : memref<1x80x128xf32, #tpu.memory_space<vmem>> -> memref<80x128xf32, #tpu.memory_space<vmem>>
    tpu.enqueue_dma source(%dma_start3A_333 : memref<80x128xf32, #tpu.memory_space<vmem>>) target(%dma_start3A_329 : memref<80x128xf32, #tpu.memory_space<hbm>>) target_semaphore(%arg12 : memref<!tpu.dma_semaphore, #tpu.memory_space<semaphore_mem>>)
    %dma_wait3A_334 = arith.constant 1 : i32
    %dma_wait3A_335 = arith.constant 0 : i32
    %dma_wait3A_336 = arith.constant 0 : i32
    %dma_wait3A_337 = tpu.memref_slice %arg9[%dma_wait3A_334, %dma_wait3A_335, %dma_wait3A_336] : memref<2x80x128xf32, #tpu.memory_space<vmem>> -> memref<1x80x128xf32, #tpu.memory_space<vmem>>
    %dma_wait3A_338 = tpu.memref_squeeze %dma_wait3A_337 : memref<1x80x128xf32, #tpu.memory_space<vmem>> -> memref<80x128xf32, #tpu.memory_space<vmem>>
    %dma_wait3A_339 = arith.constant 240 : i32
    %dma_wait3A_340 = tpu.memref_slice %arg7[%dma_wait3A_339] : memref<320xi32, #tpu.memory_space<vmem>> -> memref<80xi32, #tpu.memory_space<vmem>>
    %dma_wait3A_341 = arith.constant 0 : i32
    %dma_wait3A_342 = arith.constant 0 : i32
    %dma_wait3A_343 = tpu.memref_slice %arg3[%dma_wait3A_341, %dma_wait3A_342] : memref<100000x128xf32, #tpu.memory_space<hbm>> -> memref<100000x128xf32, #tpu.memory_space<hbm>>
    tpu.wait_indirect_dma semaphore(%arg11 : memref<!tpu.dma_semaphore, #tpu.memory_space<semaphore_mem>>) src(%dma_wait3A_343 : memref<100000x128xf32, #tpu.memory_space<hbm>>) dst(%dma_wait3A_338 : memref<80x128xf32, #tpu.memory_space<vmem>>)
    %add3A_344 = arith.constant 240 : i32
    %add3A_345 = arith.addi %mul3A_2, %add3A_344 : i32
    %dma_start3A_346 = arith.constant 1 : i32
    %dma_start3A_347 = arith.constant 0 : i32
    %dma_start3A_348 = arith.constant 0 : i32
    %dma_start3A_349 = tpu.memref_slice %arg9[%dma_start3A_346, %dma_start3A_347, %dma_start3A_348] : memref<2x80x128xf32, #tpu.memory_space<vmem>> -> memref<1x80x128xf32, #tpu.memory_space<vmem>>
    %dma_start3A_350 = tpu.memref_squeeze %dma_start3A_349 : memref<1x80x128xf32, #tpu.memory_space<vmem>> -> memref<80x128xf32, #tpu.memory_space<vmem>>
    %dma_start3A_351 = arith.constant 0 : i32
    %dma_start3A_352 = tpu.memref_slice %arg6[%add3A_345, %dma_start3A_351] : memref<10240x128xf32, #tpu.memory_space<hbm>> -> memref<80x128xf32, #tpu.memory_space<hbm>>
    %dma_start3A_353 = arith.constant 0 : i32
    %dma_start3A_354 = tpu.memref_slice %arg6[%add3A_345, %dma_start3A_353] : memref<10240x128xf32, #tpu.memory_space<hbm>> -> memref<80x128xf32, #tpu.memory_space<hbm>>
    %dma_start3A_355 = arith.constant 0 : i32
    %dma_start3A_356 = arith.constant 0 : i32
    %dma_start3A_357 = tpu.memref_slice %arg9[%dma_start3A_346, %dma_start3A_355, %dma_start3A_356] : memref<2x80x128xf32, #tpu.memory_space<vmem>> -> memref<1x80x128xf32, #tpu.memory_space<vmem>>
    %dma_start3A_358 = tpu.memref_squeeze %dma_start3A_357 : memref<1x80x128xf32, #tpu.memory_space<vmem>> -> memref<80x128xf32, #tpu.memory_space<vmem>>
    tpu.enqueue_dma source(%dma_start3A_358 : memref<80x128xf32, #tpu.memory_space<vmem>>) target(%dma_start3A_354 : memref<80x128xf32, #tpu.memory_space<hbm>>) target_semaphore(%arg13 : memref<!tpu.dma_semaphore, #tpu.memory_space<semaphore_mem>>)
    %dma_wait3A_359 = arith.constant 0 : i32
    %dma_wait3A_360 = arith.constant 0 : i32
    %dma_wait3A_361 = arith.constant 0 : i32
    %dma_wait3A_362 = tpu.memref_slice %arg9[%dma_wait3A_359, %dma_wait3A_360, %dma_wait3A_361] : memref<2x80x128xf32, #tpu.memory_space<vmem>> -> memref<1x80x128xf32, #tpu.memory_space<vmem>>
    %dma_wait3A_363 = tpu.memref_squeeze %dma_wait3A_362 : memref<1x80x128xf32, #tpu.memory_space<vmem>> -> memref<80x128xf32, #tpu.memory_space<vmem>>
    %dma_wait3A_364 = arith.constant 0 : i32
    %dma_wait3A_365 = tpu.memref_slice %arg6[%add3A_320, %dma_wait3A_364] : memref<10240x128xf32, #tpu.memory_space<hbm>> -> memref<80x128xf32, #tpu.memory_space<hbm>>
    %dma_wait3A_366 = arith.constant 0 : i32
    %dma_wait3A_367 = tpu.memref_slice %arg6[%add3A_320, %dma_wait3A_366] : memref<10240x128xf32, #tpu.memory_space<hbm>> -> memref<80x128xf32, #tpu.memory_space<hbm>>
    %dma_wait3A_368 = arith.constant 0 : i32
    %dma_wait3A_369 = arith.constant 0 : i32
    %dma_wait3A_370 = tpu.memref_slice %arg9[%dma_wait3A_359, %dma_wait3A_368, %dma_wait3A_369] : memref<2x80x128xf32, #tpu.memory_space<vmem>> -> memref<1x80x128xf32, #tpu.memory_space<vmem>>
    %dma_wait3A_371 = tpu.memref_squeeze %dma_wait3A_370 : memref<1x80x128xf32, #tpu.memory_space<vmem>> -> memref<80x128xf32, #tpu.memory_space<vmem>>
    tpu.wait_dma2 semaphore(%arg12 : memref<!tpu.dma_semaphore, #tpu.memory_space<semaphore_mem>>) src(%dma_wait3A_371 : memref<80x128xf32, #tpu.memory_space<vmem>>) dst(%dma_wait3A_367 : memref<80x128xf32, #tpu.memory_space<hbm>>)
    %dma_wait3A_372 = arith.constant 1 : i32
    %dma_wait3A_373 = arith.constant 0 : i32
    %dma_wait3A_374 = arith.constant 0 : i32
    %dma_wait3A_375 = tpu.memref_slice %arg9[%dma_wait3A_372, %dma_wait3A_373, %dma_wait3A_374] : memref<2x80x128xf32, #tpu.memory_space<vmem>> -> memref<1x80x128xf32, #tpu.memory_space<vmem>>
    %dma_wait3A_376 = tpu.memref_squeeze %dma_wait3A_375 : memref<1x80x128xf32, #tpu.memory_space<vmem>> -> memref<80x128xf32, #tpu.memory_space<vmem>>
    %dma_wait3A_377 = arith.constant 0 : i32
    %dma_wait3A_378 = tpu.memref_slice %arg6[%add3A_345, %dma_wait3A_377] : memref<10240x128xf32, #tpu.memory_space<hbm>> -> memref<80x128xf32, #tpu.memory_space<hbm>>
    %dma_wait3A_379 = arith.constant 0 : i32
    %dma_wait3A_380 = tpu.memref_slice %arg6[%add3A_345, %dma_wait3A_379] : memref<10240x128xf32, #tpu.memory_space<hbm>> -> memref<80x128xf32, #tpu.memory_space<hbm>>
    %dma_wait3A_381 = arith.constant 0 : i32
    %dma_wait3A_382 = arith.constant 0 : i32
    %dma_wait3A_383 = tpu.memref_slice %arg9[%dma_wait3A_372, %dma_wait3A_381, %dma_wait3A_382] : memref<2x80x128xf32, #tpu.memory_space<vmem>> -> memref<1x80x128xf32, #tpu.memory_space<vmem>>
    %dma_wait3A_384 = tpu.memref_squeeze %dma_wait3A_383 : memref<1x80x128xf32, #tpu.memory_space<vmem>> -> memref<80x128xf32, #tpu.memory_space<vmem>>
    tpu.wait_dma2 semaphore(%arg13 : memref<!tpu.dma_semaphore, #tpu.memory_space<semaphore_mem>>) src(%dma_wait3A_384 : memref<80x128xf32, #tpu.memory_space<vmem>>) dst(%dma_wait3A_380 : memref<80x128xf32, #tpu.memory_space<hbm>>)
    return
  }
}

#map = affine_map<(d0, d1) -> (0, 0)>
#map1 = affine_map<(d0, d1) -> (0)>
module attributes {stable_mosaic.version = 14 : i64} {
  func.func @_sc_gathers(%arg0: i32, %arg1: i32, %arg2: memref<100000x256xf32, #tpu.memory_space<hbm>>, %arg3: memref<100000x128xf32, #tpu.memory_space<hbm>>, %arg4: memref<10240xi32, #tpu.memory_space<hbm>>, %arg5: memref<10240x256xf32, #tpu.memory_space<hbm>>, %arg6: memref<10240x128xf32, #tpu.memory_space<hbm>>, %arg7: memref<320xi32, #tpu.memory_space<vmem>>, %arg8: memref<2x80x256xf32, #tpu.memory_space<vmem>>, %arg9: memref<2x80x128xf32, #tpu.memory_space<vmem>>, %arg10: memref<!tpu.dma_semaphore, #tpu.memory_space<semaphore_mem>>, %arg11: memref<!tpu.dma_semaphore, #tpu.memory_space<semaphore_mem>>, %arg12: memref<!tpu.dma_semaphore, #tpu.memory_space<semaphore_mem>>, %arg13: memref<!tpu.dma_semaphore, #tpu.memory_space<semaphore_mem>>) attributes {dimension_semantics = [#tpu.dimension_semantics<core_parallel>, #tpu.dimension_semantics<subcore_parallel>], iteration_bounds = array<i64: 2, 16>, scalar_prefetch = 0 : i64, scratch_operands = 7 : i64, tpu.core_type = #tpu.core_type<sc_vector_subcore>, window_params = [{transform_indices = #map}, {transform_indices = #map}, {transform_indices = #map1}, {transform_indices = #map}, {transform_indices = #map}]} {
    %mul3A = arith.constant 2 : i32
    %mul3A_0 = arith.muli %arg1, %mul3A : i32
    %add3A = arith.addi %mul3A_0, %arg0 : i32
    %mul3A_1 = arith.constant 320 : i32
    %mul3A_2 = arith.muli %add3A, %mul3A_1 : i32
    "tpu.region"() ({
      %run_scoped3A = tpu.sem_alloc : memref<!tpu.dma_semaphore, #tpu.memory_space<semaphore_mem>>
      %dma_start3A_385 = tpu.memref_slice %arg4[%mul3A_2] : memref<10240xi32, #tpu.memory_space<hbm>> -> memref<320xi32, #tpu.memory_space<hbm>>
      %dma_start3A_386 = tpu.memref_slice %arg4[%mul3A_2] : memref<10240xi32, #tpu.memory_space<hbm>> -> memref<320xi32, #tpu.memory_space<hbm>>
      tpu.enqueue_dma source(%dma_start3A_386 : memref<320xi32, #tpu.memory_space<hbm>>) target(%arg7 : memref<320xi32, #tpu.memory_space<vmem>>) target_semaphore(%run_scoped3A : memref<!tpu.dma_semaphore, #tpu.memory_space<semaphore_mem>>)
      %dma_wait3A_387 = tpu.memref_slice %arg4[%mul3A_2] : memref<10240xi32, #tpu.memory_space<hbm>> -> memref<320xi32, #tpu.memory_space<hbm>>
      %dma_wait3A_388 = tpu.memref_slice %arg4[%mul3A_2] : memref<10240xi32, #tpu.memory_space<hbm>> -> memref<320xi32, #tpu.memory_space<hbm>>
      tpu.wait_dma2 semaphore(%run_scoped3A : memref<!tpu.dma_semaphore, #tpu.memory_space<semaphore_mem>>) src(%dma_wait3A_388 : memref<320xi32, #tpu.memory_space<hbm>>) dst(%arg7 : memref<320xi32, #tpu.memory_space<vmem>>)
      tpu.yield
    }) : () -> ()
    %dma_start3A = arith.constant 0 : i32
    %dma_start3A_3 = arith.constant 0 : i32
    %dma_start3A_4 = arith.constant 0 : i32
    %dma_start3A_5 = tpu.memref_slice %arg8[%dma_start3A, %dma_start3A_3, %dma_start3A_4] : memref<2x80x256xf32, #tpu.memory_space<vmem>> -> memref<1x80x256xf32, #tpu.memory_space<vmem>>
    %dma_start3A_6 = tpu.memref_squeeze %dma_start3A_5 : memref<1x80x256xf32, #tpu.memory_space<vmem>> -> memref<80x256xf32, #tpu.memory_space<vmem>>
    %dma_start3A_7 = arith.constant 0 : i32
    %dma_start3A_8 = tpu.memref_slice %arg7[%dma_start3A_7] : memref<320xi32, #tpu.memory_space<vmem>> -> memref<80xi32, #tpu.memory_space<vmem>>
    %dma_start3A_9 = arith.constant 0 : i32
    %dma_start3A_10 = arith.constant 0 : i32
    %dma_start3A_11 = tpu.memref_slice %arg2[%dma_start3A_9, %dma_start3A_10] : memref<100000x256xf32, #tpu.memory_space<hbm>> -> memref<100000x256xf32, #tpu.memory_space<hbm>>
    tpu.enqueue_indirect_dma source(%dma_start3A_11 : memref<100000x256xf32, #tpu.memory_space<hbm>>) target(%dma_start3A_6 : memref<80x256xf32, #tpu.memory_space<vmem>>) offsets(%dma_start3A_8 : memref<80xi32, #tpu.memory_space<vmem>>) semaphore(%arg10 : memref<!tpu.dma_semaphore, #tpu.memory_space<semaphore_mem>>)
    %dma_start3A_12 = arith.constant 1 : i32
    %dma_start3A_13 = arith.constant 0 : i32
    %dma_start3A_14 = arith.constant 0 : i32
    %dma_start3A_15 = tpu.memref_slice %arg8[%dma_start3A_12, %dma_start3A_13, %dma_start3A_14] : memref<2x80x256xf32, #tpu.memory_space<vmem>> -> memref<1x80x256xf32, #tpu.memory_space<vmem>>
    %dma_start3A_16 = tpu.memref_squeeze %dma_start3A_15 : memref<1x80x256xf32, #tpu.memory_space<vmem>> -> memref<80x256xf32, #tpu.memory_space<vmem>>
    %dma_start3A_17 = arith.constant 80 : i32
    %dma_start3A_18 = tpu.memref_slice %arg7[%dma_start3A_17] : memref<320xi32, #tpu.memory_space<vmem>> -> memref<80xi32, #tpu.memory_space<vmem>>
    %dma_start3A_19 = arith.constant 0 : i32
    %dma_start3A_20 = arith.constant 0 : i32
    %dma_start3A_21 = tpu.memref_slice %arg2[%dma_start3A_19, %dma_start3A_20] : memref<100000x256xf32, #tpu.memory_space<hbm>> -> memref<100000x256xf32, #tpu.memory_space<hbm>>
    tpu.enqueue_indirect_dma source(%dma_start3A_21 : memref<100000x256xf32, #tpu.memory_space<hbm>>) target(%dma_start3A_16 : memref<80x256xf32, #tpu.memory_space<vmem>>) offsets(%dma_start3A_18 : memref<80xi32, #tpu.memory_space<vmem>>) semaphore(%arg11 : memref<!tpu.dma_semaphore, #tpu.memory_space<semaphore_mem>>)
    %dma_wait3A = arith.constant 0 : i32
    %dma_wait3A_22 = arith.constant 0 : i32
    %dma_wait3A_23 = arith.constant 0 : i32
    %dma_wait3A_24 = tpu.memref_slice %arg8[%dma_wait3A, %dma_wait3A_22, %dma_wait3A_23] : memref<2x80x256xf32, #tpu.memory_space<vmem>> -> memref<1x80x256xf32, #tpu.memory_space<vmem>>
    %dma_wait3A_25 = tpu.memref_squeeze %dma_wait3A_24 : memref<1x80x256xf32, #tpu.memory_space<vmem>> -> memref<80x256xf32, #tpu.memory_space<vmem>>
    %dma_wait3A_26 = arith.constant 0 : i32
    %dma_wait3A_27 = tpu.memref_slice %arg7[%dma_wait3A_26] : memref<320xi32, #tpu.memory_space<vmem>> -> memref<80xi32, #tpu.memory_space<vmem>>
    %dma_wait3A_28 = arith.constant 0 : i32
    %dma_wait3A_29 = arith.constant 0 : i32
    %dma_wait3A_30 = tpu.memref_slice %arg2[%dma_wait3A_28, %dma_wait3A_29] : memref<100000x256xf32, #tpu.memory_space<hbm>> -> memref<100000x256xf32, #tpu.memory_space<hbm>>
    tpu.wait_indirect_dma semaphore(%arg10 : memref<!tpu.dma_semaphore, #tpu.memory_space<semaphore_mem>>) src(%dma_wait3A_30 : memref<100000x256xf32, #tpu.memory_space<hbm>>) dst(%dma_wait3A_25 : memref<80x256xf32, #tpu.memory_space<vmem>>)
    %add3A_31 = arith.constant 0 : i32
    %add3A_32 = arith.addi %mul3A_2, %add3A_31 : i32
    %dma_start3A_33 = arith.constant 0 : i32
    %dma_start3A_34 = arith.constant 0 : i32
    %dma_start3A_35 = arith.constant 0 : i32
    %dma_start3A_36 = tpu.memref_slice %arg8[%dma_start3A_33, %dma_start3A_34, %dma_start3A_35] : memref<2x80x256xf32, #tpu.memory_space<vmem>> -> memref<1x80x256xf32, #tpu.memory_space<vmem>>
    %dma_start3A_37 = tpu.memref_squeeze %dma_start3A_36 : memref<1x80x256xf32, #tpu.memory_space<vmem>> -> memref<80x256xf32, #tpu.memory_space<vmem>>
    %dma_start3A_38 = arith.constant 0 : i32
    %dma_start3A_39 = tpu.memref_slice %arg5[%add3A_32, %dma_start3A_38] : memref<10240x256xf32, #tpu.memory_space<hbm>> -> memref<80x256xf32, #tpu.memory_space<hbm>>
    %dma_start3A_40 = arith.constant 0 : i32
    %dma_start3A_41 = tpu.memref_slice %arg5[%add3A_32, %dma_start3A_40] : memref<10240x256xf32, #tpu.memory_space<hbm>> -> memref<80x256xf32, #tpu.memory_space<hbm>>
    %dma_start3A_42 = arith.constant 0 : i32
    %dma_start3A_43 = arith.constant 0 : i32
    %dma_start3A_44 = tpu.memref_slice %arg8[%dma_start3A_33, %dma_start3A_42, %dma_start3A_43] : memref<2x80x256xf32, #tpu.memory_space<vmem>> -> memref<1x80x256xf32, #tpu.memory_space<vmem>>
    %dma_start3A_45 = tpu.memref_squeeze %dma_start3A_44 : memref<1x80x256xf32, #tpu.memory_space<vmem>> -> memref<80x256xf32, #tpu.memory_space<vmem>>
    tpu.enqueue_dma source(%dma_start3A_45 : memref<80x256xf32, #tpu.memory_space<vmem>>) target(%dma_start3A_41 : memref<80x256xf32, #tpu.memory_space<hbm>>) target_semaphore(%arg12 : memref<!tpu.dma_semaphore, #tpu.memory_space<semaphore_mem>>)
    %dma_wait3A_46 = arith.constant 0 : i32
    %dma_wait3A_47 = arith.constant 0 : i32
    %dma_wait3A_48 = arith.constant 0 : i32
    %dma_wait3A_49 = tpu.memref_slice %arg8[%dma_wait3A_46, %dma_wait3A_47, %dma_wait3A_48] : memref<2x80x256xf32, #tpu.memory_space<vmem>> -> memref<1x80x256xf32, #tpu.memory_space<vmem>>
    %dma_wait3A_50 = tpu.memref_squeeze %dma_wait3A_49 : memref<1x80x256xf32, #tpu.memory_space<vmem>> -> memref<80x256xf32, #tpu.memory_space<vmem>>
    %dma_wait3A_51 = arith.constant 0 : i32
    %dma_wait3A_52 = tpu.memref_slice %arg5[%add3A_32, %dma_wait3A_51] : memref<10240x256xf32, #tpu.memory_space<hbm>> -> memref<80x256xf32, #tpu.memory_space<hbm>>
    %dma_wait3A_53 = arith.constant 0 : i32
    %dma_wait3A_54 = tpu.memref_slice %arg5[%add3A_32, %dma_wait3A_53] : memref<10240x256xf32, #tpu.memory_space<hbm>> -> memref<80x256xf32, #tpu.memory_space<hbm>>
    %dma_wait3A_55 = arith.constant 0 : i32
    %dma_wait3A_56 = arith.constant 0 : i32
    %dma_wait3A_57 = tpu.memref_slice %arg8[%dma_wait3A_46, %dma_wait3A_55, %dma_wait3A_56] : memref<2x80x256xf32, #tpu.memory_space<vmem>> -> memref<1x80x256xf32, #tpu.memory_space<vmem>>
    %dma_wait3A_58 = tpu.memref_squeeze %dma_wait3A_57 : memref<1x80x256xf32, #tpu.memory_space<vmem>> -> memref<80x256xf32, #tpu.memory_space<vmem>>
    tpu.wait_dma2 semaphore(%arg12 : memref<!tpu.dma_semaphore, #tpu.memory_space<semaphore_mem>>) src(%dma_wait3A_58 : memref<80x256xf32, #tpu.memory_space<vmem>>) dst(%dma_wait3A_54 : memref<80x256xf32, #tpu.memory_space<hbm>>)
    %dma_start3A_59 = arith.constant 0 : i32
    %dma_start3A_60 = arith.constant 0 : i32
    %dma_start3A_61 = arith.constant 0 : i32
    %dma_start3A_62 = tpu.memref_slice %arg8[%dma_start3A_59, %dma_start3A_60, %dma_start3A_61] : memref<2x80x256xf32, #tpu.memory_space<vmem>> -> memref<1x80x256xf32, #tpu.memory_space<vmem>>
    %dma_start3A_63 = tpu.memref_squeeze %dma_start3A_62 : memref<1x80x256xf32, #tpu.memory_space<vmem>> -> memref<80x256xf32, #tpu.memory_space<vmem>>
    %dma_start3A_64 = arith.constant 160 : i32
    %dma_start3A_65 = tpu.memref_slice %arg7[%dma_start3A_64] : memref<320xi32, #tpu.memory_space<vmem>> -> memref<80xi32, #tpu.memory_space<vmem>>
    %dma_start3A_66 = arith.constant 0 : i32
    %dma_start3A_67 = arith.constant 0 : i32
    %dma_start3A_68 = tpu.memref_slice %arg2[%dma_start3A_66, %dma_start3A_67] : memref<100000x256xf32, #tpu.memory_space<hbm>> -> memref<100000x256xf32, #tpu.memory_space<hbm>>
    tpu.enqueue_indirect_dma source(%dma_start3A_68 : memref<100000x256xf32, #tpu.memory_space<hbm>>) target(%dma_start3A_63 : memref<80x256xf32, #tpu.memory_space<vmem>>) offsets(%dma_start3A_65 : memref<80xi32, #tpu.memory_space<vmem>>) semaphore(%arg10 : memref<!tpu.dma_semaphore, #tpu.memory_space<semaphore_mem>>)
    %dma_wait3A_69 = arith.constant 1 : i32
    %dma_wait3A_70 = arith.constant 0 : i32
    %dma_wait3A_71 = arith.constant 0 : i32
    %dma_wait3A_72 = tpu.memref_slice %arg8[%dma_wait3A_69, %dma_wait3A_70, %dma_wait3A_71] : memref<2x80x256xf32, #tpu.memory_space<vmem>> -> memref<1x80x256xf32, #tpu.memory_space<vmem>>
    %dma_wait3A_73 = tpu.memref_squeeze %dma_wait3A_72 : memref<1x80x256xf32, #tpu.memory_space<vmem>> -> memref<80x256xf32, #tpu.memory_space<vmem>>
    %dma_wait3A_74 = arith.constant 80 : i32
    %dma_wait3A_75 = tpu.memref_slice %arg7[%dma_wait3A_74] : memref<320xi32, #tpu.memory_space<vmem>> -> memref<80xi32, #tpu.memory_space<vmem>>
    %dma_wait3A_76 = arith.constant 0 : i32
    %dma_wait3A_77 = arith.constant 0 : i32
    %dma_wait3A_78 = tpu.memref_slice %arg2[%dma_wait3A_76, %dma_wait3A_77] : memref<100000x256xf32, #tpu.memory_space<hbm>> -> memref<100000x256xf32, #tpu.memory_space<hbm>>
    tpu.wait_indirect_dma semaphore(%arg11 : memref<!tpu.dma_semaphore, #tpu.memory_space<semaphore_mem>>) src(%dma_wait3A_78 : memref<100000x256xf32, #tpu.memory_space<hbm>>) dst(%dma_wait3A_73 : memref<80x256xf32, #tpu.memory_space<vmem>>)
    %add3A_79 = arith.constant 80 : i32
    %add3A_80 = arith.addi %mul3A_2, %add3A_79 : i32
    %dma_start3A_81 = arith.constant 1 : i32
    %dma_start3A_82 = arith.constant 0 : i32
    %dma_start3A_83 = arith.constant 0 : i32
    %dma_start3A_84 = tpu.memref_slice %arg8[%dma_start3A_81, %dma_start3A_82, %dma_start3A_83] : memref<2x80x256xf32, #tpu.memory_space<vmem>> -> memref<1x80x256xf32, #tpu.memory_space<vmem>>
    %dma_start3A_85 = tpu.memref_squeeze %dma_start3A_84 : memref<1x80x256xf32, #tpu.memory_space<vmem>> -> memref<80x256xf32, #tpu.memory_space<vmem>>
    %dma_start3A_86 = arith.constant 0 : i32
    %dma_start3A_87 = tpu.memref_slice %arg5[%add3A_80, %dma_start3A_86] : memref<10240x256xf32, #tpu.memory_space<hbm>> -> memref<80x256xf32, #tpu.memory_space<hbm>>
    %dma_start3A_88 = arith.constant 0 : i32
    %dma_start3A_89 = tpu.memref_slice %arg5[%add3A_80, %dma_start3A_88] : memref<10240x256xf32, #tpu.memory_space<hbm>> -> memref<80x256xf32, #tpu.memory_space<hbm>>
    %dma_start3A_90 = arith.constant 0 : i32
    %dma_start3A_91 = arith.constant 0 : i32
    %dma_start3A_92 = tpu.memref_slice %arg8[%dma_start3A_81, %dma_start3A_90, %dma_start3A_91] : memref<2x80x256xf32, #tpu.memory_space<vmem>> -> memref<1x80x256xf32, #tpu.memory_space<vmem>>
    %dma_start3A_93 = tpu.memref_squeeze %dma_start3A_92 : memref<1x80x256xf32, #tpu.memory_space<vmem>> -> memref<80x256xf32, #tpu.memory_space<vmem>>
    tpu.enqueue_dma source(%dma_start3A_93 : memref<80x256xf32, #tpu.memory_space<vmem>>) target(%dma_start3A_89 : memref<80x256xf32, #tpu.memory_space<hbm>>) target_semaphore(%arg13 : memref<!tpu.dma_semaphore, #tpu.memory_space<semaphore_mem>>)
    %dma_wait3A_94 = arith.constant 1 : i32
    %dma_wait3A_95 = arith.constant 0 : i32
    %dma_wait3A_96 = arith.constant 0 : i32
    %dma_wait3A_97 = tpu.memref_slice %arg8[%dma_wait3A_94, %dma_wait3A_95, %dma_wait3A_96] : memref<2x80x256xf32, #tpu.memory_space<vmem>> -> memref<1x80x256xf32, #tpu.memory_space<vmem>>
    %dma_wait3A_98 = tpu.memref_squeeze %dma_wait3A_97 : memref<1x80x256xf32, #tpu.memory_space<vmem>> -> memref<80x256xf32, #tpu.memory_space<vmem>>
    %dma_wait3A_99 = arith.constant 0 : i32
    %dma_wait3A_100 = tpu.memref_slice %arg5[%add3A_80, %dma_wait3A_99] : memref<10240x256xf32, #tpu.memory_space<hbm>> -> memref<80x256xf32, #tpu.memory_space<hbm>>
    %dma_wait3A_101 = arith.constant 0 : i32
    %dma_wait3A_102 = tpu.memref_slice %arg5[%add3A_80, %dma_wait3A_101] : memref<10240x256xf32, #tpu.memory_space<hbm>> -> memref<80x256xf32, #tpu.memory_space<hbm>>
    %dma_wait3A_103 = arith.constant 0 : i32
    %dma_wait3A_104 = arith.constant 0 : i32
    %dma_wait3A_105 = tpu.memref_slice %arg8[%dma_wait3A_94, %dma_wait3A_103, %dma_wait3A_104] : memref<2x80x256xf32, #tpu.memory_space<vmem>> -> memref<1x80x256xf32, #tpu.memory_space<vmem>>
    %dma_wait3A_106 = tpu.memref_squeeze %dma_wait3A_105 : memref<1x80x256xf32, #tpu.memory_space<vmem>> -> memref<80x256xf32, #tpu.memory_space<vmem>>
    tpu.wait_dma2 semaphore(%arg13 : memref<!tpu.dma_semaphore, #tpu.memory_space<semaphore_mem>>) src(%dma_wait3A_106 : memref<80x256xf32, #tpu.memory_space<vmem>>) dst(%dma_wait3A_102 : memref<80x256xf32, #tpu.memory_space<hbm>>)
    %dma_start3A_107 = arith.constant 1 : i32
    %dma_start3A_108 = arith.constant 0 : i32
    %dma_start3A_109 = arith.constant 0 : i32
    %dma_start3A_110 = tpu.memref_slice %arg8[%dma_start3A_107, %dma_start3A_108, %dma_start3A_109] : memref<2x80x256xf32, #tpu.memory_space<vmem>> -> memref<1x80x256xf32, #tpu.memory_space<vmem>>
    %dma_start3A_111 = tpu.memref_squeeze %dma_start3A_110 : memref<1x80x256xf32, #tpu.memory_space<vmem>> -> memref<80x256xf32, #tpu.memory_space<vmem>>
    %dma_start3A_112 = arith.constant 240 : i32
    %dma_start3A_113 = tpu.memref_slice %arg7[%dma_start3A_112] : memref<320xi32, #tpu.memory_space<vmem>> -> memref<80xi32, #tpu.memory_space<vmem>>
    %dma_start3A_114 = arith.constant 0 : i32
    %dma_start3A_115 = arith.constant 0 : i32
    %dma_start3A_116 = tpu.memref_slice %arg2[%dma_start3A_114, %dma_start3A_115] : memref<100000x256xf32, #tpu.memory_space<hbm>> -> memref<100000x256xf32, #tpu.memory_space<hbm>>
    tpu.enqueue_indirect_dma source(%dma_start3A_116 : memref<100000x256xf32, #tpu.memory_space<hbm>>) target(%dma_start3A_111 : memref<80x256xf32, #tpu.memory_space<vmem>>) offsets(%dma_start3A_113 : memref<80xi32, #tpu.memory_space<vmem>>) semaphore(%arg11 : memref<!tpu.dma_semaphore, #tpu.memory_space<semaphore_mem>>)
    %dma_wait3A_117 = arith.constant 0 : i32
    %dma_wait3A_118 = arith.constant 0 : i32
    %dma_wait3A_119 = arith.constant 0 : i32
    %dma_wait3A_120 = tpu.memref_slice %arg8[%dma_wait3A_117, %dma_wait3A_118, %dma_wait3A_119] : memref<2x80x256xf32, #tpu.memory_space<vmem>> -> memref<1x80x256xf32, #tpu.memory_space<vmem>>
    %dma_wait3A_121 = tpu.memref_squeeze %dma_wait3A_120 : memref<1x80x256xf32, #tpu.memory_space<vmem>> -> memref<80x256xf32, #tpu.memory_space<vmem>>
    %dma_wait3A_122 = arith.constant 160 : i32
    %dma_wait3A_123 = tpu.memref_slice %arg7[%dma_wait3A_122] : memref<320xi32, #tpu.memory_space<vmem>> -> memref<80xi32, #tpu.memory_space<vmem>>
    %dma_wait3A_124 = arith.constant 0 : i32
    %dma_wait3A_125 = arith.constant 0 : i32
    %dma_wait3A_126 = tpu.memref_slice %arg2[%dma_wait3A_124, %dma_wait3A_125] : memref<100000x256xf32, #tpu.memory_space<hbm>> -> memref<100000x256xf32, #tpu.memory_space<hbm>>
    tpu.wait_indirect_dma semaphore(%arg10 : memref<!tpu.dma_semaphore, #tpu.memory_space<semaphore_mem>>) src(%dma_wait3A_126 : memref<100000x256xf32, #tpu.memory_space<hbm>>) dst(%dma_wait3A_121 : memref<80x256xf32, #tpu.memory_space<vmem>>)
    %add3A_127 = arith.constant 160 : i32
    %add3A_128 = arith.addi %mul3A_2, %add3A_127 : i32
    %dma_start3A_129 = arith.constant 0 : i32
    %dma_start3A_130 = arith.constant 0 : i32
    %dma_start3A_131 = arith.constant 0 : i32
    %dma_start3A_132 = tpu.memref_slice %arg8[%dma_start3A_129, %dma_start3A_130, %dma_start3A_131] : memref<2x80x256xf32, #tpu.memory_space<vmem>> -> memref<1x80x256xf32, #tpu.memory_space<vmem>>
    %dma_start3A_133 = tpu.memref_squeeze %dma_start3A_132 : memref<1x80x256xf32, #tpu.memory_space<vmem>> -> memref<80x256xf32, #tpu.memory_space<vmem>>
    %dma_start3A_134 = arith.constant 0 : i32
    %dma_start3A_135 = tpu.memref_slice %arg5[%add3A_128, %dma_start3A_134] : memref<10240x256xf32, #tpu.memory_space<hbm>> -> memref<80x256xf32, #tpu.memory_space<hbm>>
    %dma_start3A_136 = arith.constant 0 : i32
    %dma_start3A_137 = tpu.memref_slice %arg5[%add3A_128, %dma_start3A_136] : memref<10240x256xf32, #tpu.memory_space<hbm>> -> memref<80x256xf32, #tpu.memory_space<hbm>>
    %dma_start3A_138 = arith.constant 0 : i32
    %dma_start3A_139 = arith.constant 0 : i32
    %dma_start3A_140 = tpu.memref_slice %arg8[%dma_start3A_129, %dma_start3A_138, %dma_start3A_139] : memref<2x80x256xf32, #tpu.memory_space<vmem>> -> memref<1x80x256xf32, #tpu.memory_space<vmem>>
    %dma_start3A_141 = tpu.memref_squeeze %dma_start3A_140 : memref<1x80x256xf32, #tpu.memory_space<vmem>> -> memref<80x256xf32, #tpu.memory_space<vmem>>
    tpu.enqueue_dma source(%dma_start3A_141 : memref<80x256xf32, #tpu.memory_space<vmem>>) target(%dma_start3A_137 : memref<80x256xf32, #tpu.memory_space<hbm>>) target_semaphore(%arg12 : memref<!tpu.dma_semaphore, #tpu.memory_space<semaphore_mem>>)
    %dma_wait3A_142 = arith.constant 1 : i32
    %dma_wait3A_143 = arith.constant 0 : i32
    %dma_wait3A_144 = arith.constant 0 : i32
    %dma_wait3A_145 = tpu.memref_slice %arg8[%dma_wait3A_142, %dma_wait3A_143, %dma_wait3A_144] : memref<2x80x256xf32, #tpu.memory_space<vmem>> -> memref<1x80x256xf32, #tpu.memory_space<vmem>>
    %dma_wait3A_146 = tpu.memref_squeeze %dma_wait3A_145 : memref<1x80x256xf32, #tpu.memory_space<vmem>> -> memref<80x256xf32, #tpu.memory_space<vmem>>
    %dma_wait3A_147 = arith.constant 240 : i32
    %dma_wait3A_148 = tpu.memref_slice %arg7[%dma_wait3A_147] : memref<320xi32, #tpu.memory_space<vmem>> -> memref<80xi32, #tpu.memory_space<vmem>>
    %dma_wait3A_149 = arith.constant 0 : i32
    %dma_wait3A_150 = arith.constant 0 : i32
    %dma_wait3A_151 = tpu.memref_slice %arg2[%dma_wait3A_149, %dma_wait3A_150] : memref<100000x256xf32, #tpu.memory_space<hbm>> -> memref<100000x256xf32, #tpu.memory_space<hbm>>
    tpu.wait_indirect_dma semaphore(%arg11 : memref<!tpu.dma_semaphore, #tpu.memory_space<semaphore_mem>>) src(%dma_wait3A_151 : memref<100000x256xf32, #tpu.memory_space<hbm>>) dst(%dma_wait3A_146 : memref<80x256xf32, #tpu.memory_space<vmem>>)
    %add3A_152 = arith.constant 240 : i32
    %add3A_153 = arith.addi %mul3A_2, %add3A_152 : i32
    %dma_start3A_154 = arith.constant 1 : i32
    %dma_start3A_155 = arith.constant 0 : i32
    %dma_start3A_156 = arith.constant 0 : i32
    %dma_start3A_157 = tpu.memref_slice %arg8[%dma_start3A_154, %dma_start3A_155, %dma_start3A_156] : memref<2x80x256xf32, #tpu.memory_space<vmem>> -> memref<1x80x256xf32, #tpu.memory_space<vmem>>
    %dma_start3A_158 = tpu.memref_squeeze %dma_start3A_157 : memref<1x80x256xf32, #tpu.memory_space<vmem>> -> memref<80x256xf32, #tpu.memory_space<vmem>>
    %dma_start3A_159 = arith.constant 0 : i32
    %dma_start3A_160 = tpu.memref_slice %arg5[%add3A_153, %dma_start3A_159] : memref<10240x256xf32, #tpu.memory_space<hbm>> -> memref<80x256xf32, #tpu.memory_space<hbm>>
    %dma_start3A_161 = arith.constant 0 : i32
    %dma_start3A_162 = tpu.memref_slice %arg5[%add3A_153, %dma_start3A_161] : memref<10240x256xf32, #tpu.memory_space<hbm>> -> memref<80x256xf32, #tpu.memory_space<hbm>>
    %dma_start3A_163 = arith.constant 0 : i32
    %dma_start3A_164 = arith.constant 0 : i32
    %dma_start3A_165 = tpu.memref_slice %arg8[%dma_start3A_154, %dma_start3A_163, %dma_start3A_164] : memref<2x80x256xf32, #tpu.memory_space<vmem>> -> memref<1x80x256xf32, #tpu.memory_space<vmem>>
    %dma_start3A_166 = tpu.memref_squeeze %dma_start3A_165 : memref<1x80x256xf32, #tpu.memory_space<vmem>> -> memref<80x256xf32, #tpu.memory_space<vmem>>
    tpu.enqueue_dma source(%dma_start3A_166 : memref<80x256xf32, #tpu.memory_space<vmem>>) target(%dma_start3A_162 : memref<80x256xf32, #tpu.memory_space<hbm>>) target_semaphore(%arg13 : memref<!tpu.dma_semaphore, #tpu.memory_space<semaphore_mem>>)
    %dma_wait3A_167 = arith.constant 0 : i32
    %dma_wait3A_168 = arith.constant 0 : i32
    %dma_wait3A_169 = arith.constant 0 : i32
    %dma_wait3A_170 = tpu.memref_slice %arg8[%dma_wait3A_167, %dma_wait3A_168, %dma_wait3A_169] : memref<2x80x256xf32, #tpu.memory_space<vmem>> -> memref<1x80x256xf32, #tpu.memory_space<vmem>>
    %dma_wait3A_171 = tpu.memref_squeeze %dma_wait3A_170 : memref<1x80x256xf32, #tpu.memory_space<vmem>> -> memref<80x256xf32, #tpu.memory_space<vmem>>
    %dma_wait3A_172 = arith.constant 0 : i32
    %dma_wait3A_173 = tpu.memref_slice %arg5[%add3A_128, %dma_wait3A_172] : memref<10240x256xf32, #tpu.memory_space<hbm>> -> memref<80x256xf32, #tpu.memory_space<hbm>>
    %dma_wait3A_174 = arith.constant 0 : i32
    %dma_wait3A_175 = tpu.memref_slice %arg5[%add3A_128, %dma_wait3A_174] : memref<10240x256xf32, #tpu.memory_space<hbm>> -> memref<80x256xf32, #tpu.memory_space<hbm>>
    %dma_wait3A_176 = arith.constant 0 : i32
    %dma_wait3A_177 = arith.constant 0 : i32
    %dma_wait3A_178 = tpu.memref_slice %arg8[%dma_wait3A_167, %dma_wait3A_176, %dma_wait3A_177] : memref<2x80x256xf32, #tpu.memory_space<vmem>> -> memref<1x80x256xf32, #tpu.memory_space<vmem>>
    %dma_wait3A_179 = tpu.memref_squeeze %dma_wait3A_178 : memref<1x80x256xf32, #tpu.memory_space<vmem>> -> memref<80x256xf32, #tpu.memory_space<vmem>>
    tpu.wait_dma2 semaphore(%arg12 : memref<!tpu.dma_semaphore, #tpu.memory_space<semaphore_mem>>) src(%dma_wait3A_179 : memref<80x256xf32, #tpu.memory_space<vmem>>) dst(%dma_wait3A_175 : memref<80x256xf32, #tpu.memory_space<hbm>>)
    %dma_wait3A_180 = arith.constant 1 : i32
    %dma_wait3A_181 = arith.constant 0 : i32
    %dma_wait3A_182 = arith.constant 0 : i32
    %dma_wait3A_183 = tpu.memref_slice %arg8[%dma_wait3A_180, %dma_wait3A_181, %dma_wait3A_182] : memref<2x80x256xf32, #tpu.memory_space<vmem>> -> memref<1x80x256xf32, #tpu.memory_space<vmem>>
    %dma_wait3A_184 = tpu.memref_squeeze %dma_wait3A_183 : memref<1x80x256xf32, #tpu.memory_space<vmem>> -> memref<80x256xf32, #tpu.memory_space<vmem>>
    %dma_wait3A_185 = arith.constant 0 : i32
    %dma_wait3A_186 = tpu.memref_slice %arg5[%add3A_153, %dma_wait3A_185] : memref<10240x256xf32, #tpu.memory_space<hbm>> -> memref<80x256xf32, #tpu.memory_space<hbm>>
    %dma_wait3A_187 = arith.constant 0 : i32
    %dma_wait3A_188 = tpu.memref_slice %arg5[%add3A_153, %dma_wait3A_187] : memref<10240x256xf32, #tpu.memory_space<hbm>> -> memref<80x256xf32, #tpu.memory_space<hbm>>
    %dma_wait3A_189 = arith.constant 0 : i32
    %dma_wait3A_190 = arith.constant 0 : i32
    %dma_wait3A_191 = tpu.memref_slice %arg8[%dma_wait3A_180, %dma_wait3A_189, %dma_wait3A_190] : memref<2x80x256xf32, #tpu.memory_space<vmem>> -> memref<1x80x256xf32, #tpu.memory_space<vmem>>
    %dma_wait3A_192 = tpu.memref_squeeze %dma_wait3A_191 : memref<1x80x256xf32, #tpu.memory_space<vmem>> -> memref<80x256xf32, #tpu.memory_space<vmem>>
    tpu.wait_dma2 semaphore(%arg13 : memref<!tpu.dma_semaphore, #tpu.memory_space<semaphore_mem>>) src(%dma_wait3A_192 : memref<80x256xf32, #tpu.memory_space<vmem>>) dst(%dma_wait3A_188 : memref<80x256xf32, #tpu.memory_space<hbm>>)
    %dma_start3A_193 = arith.constant 0 : i32
    %dma_start3A_194 = arith.constant 0 : i32
    %dma_start3A_195 = arith.constant 0 : i32
    %dma_start3A_196 = tpu.memref_slice %arg9[%dma_start3A_193, %dma_start3A_194, %dma_start3A_195] : memref<2x80x128xf32, #tpu.memory_space<vmem>> -> memref<1x80x128xf32, #tpu.memory_space<vmem>>
    %dma_start3A_197 = tpu.memref_squeeze %dma_start3A_196 : memref<1x80x128xf32, #tpu.memory_space<vmem>> -> memref<80x128xf32, #tpu.memory_space<vmem>>
    %dma_start3A_198 = arith.constant 0 : i32
    %dma_start3A_199 = tpu.memref_slice %arg7[%dma_start3A_198] : memref<320xi32, #tpu.memory_space<vmem>> -> memref<80xi32, #tpu.memory_space<vmem>>
    %dma_start3A_200 = arith.constant 0 : i32
    %dma_start3A_201 = arith.constant 0 : i32
    %dma_start3A_202 = tpu.memref_slice %arg3[%dma_start3A_200, %dma_start3A_201] : memref<100000x128xf32, #tpu.memory_space<hbm>> -> memref<100000x128xf32, #tpu.memory_space<hbm>>
    tpu.enqueue_indirect_dma source(%dma_start3A_202 : memref<100000x128xf32, #tpu.memory_space<hbm>>) target(%dma_start3A_197 : memref<80x128xf32, #tpu.memory_space<vmem>>) offsets(%dma_start3A_199 : memref<80xi32, #tpu.memory_space<vmem>>) semaphore(%arg10 : memref<!tpu.dma_semaphore, #tpu.memory_space<semaphore_mem>>)
    %dma_start3A_203 = arith.constant 1 : i32
    %dma_start3A_204 = arith.constant 0 : i32
    %dma_start3A_205 = arith.constant 0 : i32
    %dma_start3A_206 = tpu.memref_slice %arg9[%dma_start3A_203, %dma_start3A_204, %dma_start3A_205] : memref<2x80x128xf32, #tpu.memory_space<vmem>> -> memref<1x80x128xf32, #tpu.memory_space<vmem>>
    %dma_start3A_207 = tpu.memref_squeeze %dma_start3A_206 : memref<1x80x128xf32, #tpu.memory_space<vmem>> -> memref<80x128xf32, #tpu.memory_space<vmem>>
    %dma_start3A_208 = arith.constant 80 : i32
    %dma_start3A_209 = tpu.memref_slice %arg7[%dma_start3A_208] : memref<320xi32, #tpu.memory_space<vmem>> -> memref<80xi32, #tpu.memory_space<vmem>>
    %dma_start3A_210 = arith.constant 0 : i32
    %dma_start3A_211 = arith.constant 0 : i32
    %dma_start3A_212 = tpu.memref_slice %arg3[%dma_start3A_210, %dma_start3A_211] : memref<100000x128xf32, #tpu.memory_space<hbm>> -> memref<100000x128xf32, #tpu.memory_space<hbm>>
    tpu.enqueue_indirect_dma source(%dma_start3A_212 : memref<100000x128xf32, #tpu.memory_space<hbm>>) target(%dma_start3A_207 : memref<80x128xf32, #tpu.memory_space<vmem>>) offsets(%dma_start3A_209 : memref<80xi32, #tpu.memory_space<vmem>>) semaphore(%arg11 : memref<!tpu.dma_semaphore, #tpu.memory_space<semaphore_mem>>)
    %dma_wait3A_213 = arith.constant 0 : i32
    %dma_wait3A_214 = arith.constant 0 : i32
    %dma_wait3A_215 = arith.constant 0 : i32
    %dma_wait3A_216 = tpu.memref_slice %arg9[%dma_wait3A_213, %dma_wait3A_214, %dma_wait3A_215] : memref<2x80x128xf32, #tpu.memory_space<vmem>> -> memref<1x80x128xf32, #tpu.memory_space<vmem>>
    %dma_wait3A_217 = tpu.memref_squeeze %dma_wait3A_216 : memref<1x80x128xf32, #tpu.memory_space<vmem>> -> memref<80x128xf32, #tpu.memory_space<vmem>>
    %dma_wait3A_218 = arith.constant 0 : i32
    %dma_wait3A_219 = tpu.memref_slice %arg7[%dma_wait3A_218] : memref<320xi32, #tpu.memory_space<vmem>> -> memref<80xi32, #tpu.memory_space<vmem>>
    %dma_wait3A_220 = arith.constant 0 : i32
    %dma_wait3A_221 = arith.constant 0 : i32
    %dma_wait3A_222 = tpu.memref_slice %arg3[%dma_wait3A_220, %dma_wait3A_221] : memref<100000x128xf32, #tpu.memory_space<hbm>> -> memref<100000x128xf32, #tpu.memory_space<hbm>>
    tpu.wait_indirect_dma semaphore(%arg10 : memref<!tpu.dma_semaphore, #tpu.memory_space<semaphore_mem>>) src(%dma_wait3A_222 : memref<100000x128xf32, #tpu.memory_space<hbm>>) dst(%dma_wait3A_217 : memref<80x128xf32, #tpu.memory_space<vmem>>)
    %add3A_223 = arith.constant 0 : i32
    %add3A_224 = arith.addi %mul3A_2, %add3A_223 : i32
    %dma_start3A_225 = arith.constant 0 : i32
    %dma_start3A_226 = arith.constant 0 : i32
    %dma_start3A_227 = arith.constant 0 : i32
    %dma_start3A_228 = tpu.memref_slice %arg9[%dma_start3A_225, %dma_start3A_226, %dma_start3A_227] : memref<2x80x128xf32, #tpu.memory_space<vmem>> -> memref<1x80x128xf32, #tpu.memory_space<vmem>>
    %dma_start3A_229 = tpu.memref_squeeze %dma_start3A_228 : memref<1x80x128xf32, #tpu.memory_space<vmem>> -> memref<80x128xf32, #tpu.memory_space<vmem>>
    %dma_start3A_230 = arith.constant 0 : i32
    %dma_start3A_231 = tpu.memref_slice %arg6[%add3A_224, %dma_start3A_230] : memref<10240x128xf32, #tpu.memory_space<hbm>> -> memref<80x128xf32, #tpu.memory_space<hbm>>
    %dma_start3A_232 = arith.constant 0 : i32
    %dma_start3A_233 = tpu.memref_slice %arg6[%add3A_224, %dma_start3A_232] : memref<10240x128xf32, #tpu.memory_space<hbm>> -> memref<80x128xf32, #tpu.memory_space<hbm>>
    %dma_start3A_234 = arith.constant 0 : i32
    %dma_start3A_235 = arith.constant 0 : i32
    %dma_start3A_236 = tpu.memref_slice %arg9[%dma_start3A_225, %dma_start3A_234, %dma_start3A_235] : memref<2x80x128xf32, #tpu.memory_space<vmem>> -> memref<1x80x128xf32, #tpu.memory_space<vmem>>
    %dma_start3A_237 = tpu.memref_squeeze %dma_start3A_236 : memref<1x80x128xf32, #tpu.memory_space<vmem>> -> memref<80x128xf32, #tpu.memory_space<vmem>>
    tpu.enqueue_dma source(%dma_start3A_237 : memref<80x128xf32, #tpu.memory_space<vmem>>) target(%dma_start3A_233 : memref<80x128xf32, #tpu.memory_space<hbm>>) target_semaphore(%arg12 : memref<!tpu.dma_semaphore, #tpu.memory_space<semaphore_mem>>)
    %dma_wait3A_238 = arith.constant 0 : i32
    %dma_wait3A_239 = arith.constant 0 : i32
    %dma_wait3A_240 = arith.constant 0 : i32
    %dma_wait3A_241 = tpu.memref_slice %arg9[%dma_wait3A_238, %dma_wait3A_239, %dma_wait3A_240] : memref<2x80x128xf32, #tpu.memory_space<vmem>> -> memref<1x80x128xf32, #tpu.memory_space<vmem>>
    %dma_wait3A_242 = tpu.memref_squeeze %dma_wait3A_241 : memref<1x80x128xf32, #tpu.memory_space<vmem>> -> memref<80x128xf32, #tpu.memory_space<vmem>>
    %dma_wait3A_243 = arith.constant 0 : i32
    %dma_wait3A_244 = tpu.memref_slice %arg6[%add3A_224, %dma_wait3A_243] : memref<10240x128xf32, #tpu.memory_space<hbm>> -> memref<80x128xf32, #tpu.memory_space<hbm>>
    %dma_wait3A_245 = arith.constant 0 : i32
    %dma_wait3A_246 = tpu.memref_slice %arg6[%add3A_224, %dma_wait3A_245] : memref<10240x128xf32, #tpu.memory_space<hbm>> -> memref<80x128xf32, #tpu.memory_space<hbm>>
    %dma_wait3A_247 = arith.constant 0 : i32
    %dma_wait3A_248 = arith.constant 0 : i32
    %dma_wait3A_249 = tpu.memref_slice %arg9[%dma_wait3A_238, %dma_wait3A_247, %dma_wait3A_248] : memref<2x80x128xf32, #tpu.memory_space<vmem>> -> memref<1x80x128xf32, #tpu.memory_space<vmem>>
    %dma_wait3A_250 = tpu.memref_squeeze %dma_wait3A_249 : memref<1x80x128xf32, #tpu.memory_space<vmem>> -> memref<80x128xf32, #tpu.memory_space<vmem>>
    tpu.wait_dma2 semaphore(%arg12 : memref<!tpu.dma_semaphore, #tpu.memory_space<semaphore_mem>>) src(%dma_wait3A_250 : memref<80x128xf32, #tpu.memory_space<vmem>>) dst(%dma_wait3A_246 : memref<80x128xf32, #tpu.memory_space<hbm>>)
    %dma_start3A_251 = arith.constant 0 : i32
    %dma_start3A_252 = arith.constant 0 : i32
    %dma_start3A_253 = arith.constant 0 : i32
    %dma_start3A_254 = tpu.memref_slice %arg9[%dma_start3A_251, %dma_start3A_252, %dma_start3A_253] : memref<2x80x128xf32, #tpu.memory_space<vmem>> -> memref<1x80x128xf32, #tpu.memory_space<vmem>>
    %dma_start3A_255 = tpu.memref_squeeze %dma_start3A_254 : memref<1x80x128xf32, #tpu.memory_space<vmem>> -> memref<80x128xf32, #tpu.memory_space<vmem>>
    %dma_start3A_256 = arith.constant 160 : i32
    %dma_start3A_257 = tpu.memref_slice %arg7[%dma_start3A_256] : memref<320xi32, #tpu.memory_space<vmem>> -> memref<80xi32, #tpu.memory_space<vmem>>
    %dma_start3A_258 = arith.constant 0 : i32
    %dma_start3A_259 = arith.constant 0 : i32
    %dma_start3A_260 = tpu.memref_slice %arg3[%dma_start3A_258, %dma_start3A_259] : memref<100000x128xf32, #tpu.memory_space<hbm>> -> memref<100000x128xf32, #tpu.memory_space<hbm>>
    tpu.enqueue_indirect_dma source(%dma_start3A_260 : memref<100000x128xf32, #tpu.memory_space<hbm>>) target(%dma_start3A_255 : memref<80x128xf32, #tpu.memory_space<vmem>>) offsets(%dma_start3A_257 : memref<80xi32, #tpu.memory_space<vmem>>) semaphore(%arg10 : memref<!tpu.dma_semaphore, #tpu.memory_space<semaphore_mem>>)
    %dma_wait3A_261 = arith.constant 1 : i32
    %dma_wait3A_262 = arith.constant 0 : i32
    %dma_wait3A_263 = arith.constant 0 : i32
    %dma_wait3A_264 = tpu.memref_slice %arg9[%dma_wait3A_261, %dma_wait3A_262, %dma_wait3A_263] : memref<2x80x128xf32, #tpu.memory_space<vmem>> -> memref<1x80x128xf32, #tpu.memory_space<vmem>>
    %dma_wait3A_265 = tpu.memref_squeeze %dma_wait3A_264 : memref<1x80x128xf32, #tpu.memory_space<vmem>> -> memref<80x128xf32, #tpu.memory_space<vmem>>
    %dma_wait3A_266 = arith.constant 80 : i32
    %dma_wait3A_267 = tpu.memref_slice %arg7[%dma_wait3A_266] : memref<320xi32, #tpu.memory_space<vmem>> -> memref<80xi32, #tpu.memory_space<vmem>>
    %dma_wait3A_268 = arith.constant 0 : i32
    %dma_wait3A_269 = arith.constant 0 : i32
    %dma_wait3A_270 = tpu.memref_slice %arg3[%dma_wait3A_268, %dma_wait3A_269] : memref<100000x128xf32, #tpu.memory_space<hbm>> -> memref<100000x128xf32, #tpu.memory_space<hbm>>
    tpu.wait_indirect_dma semaphore(%arg11 : memref<!tpu.dma_semaphore, #tpu.memory_space<semaphore_mem>>) src(%dma_wait3A_270 : memref<100000x128xf32, #tpu.memory_space<hbm>>) dst(%dma_wait3A_265 : memref<80x128xf32, #tpu.memory_space<vmem>>)
    %add3A_271 = arith.constant 80 : i32
    %add3A_272 = arith.addi %mul3A_2, %add3A_271 : i32
    %dma_start3A_273 = arith.constant 1 : i32
    %dma_start3A_274 = arith.constant 0 : i32
    %dma_start3A_275 = arith.constant 0 : i32
    %dma_start3A_276 = tpu.memref_slice %arg9[%dma_start3A_273, %dma_start3A_274, %dma_start3A_275] : memref<2x80x128xf32, #tpu.memory_space<vmem>> -> memref<1x80x128xf32, #tpu.memory_space<vmem>>
    %dma_start3A_277 = tpu.memref_squeeze %dma_start3A_276 : memref<1x80x128xf32, #tpu.memory_space<vmem>> -> memref<80x128xf32, #tpu.memory_space<vmem>>
    %dma_start3A_278 = arith.constant 0 : i32
    %dma_start3A_279 = tpu.memref_slice %arg6[%add3A_272, %dma_start3A_278] : memref<10240x128xf32, #tpu.memory_space<hbm>> -> memref<80x128xf32, #tpu.memory_space<hbm>>
    %dma_start3A_280 = arith.constant 0 : i32
    %dma_start3A_281 = tpu.memref_slice %arg6[%add3A_272, %dma_start3A_280] : memref<10240x128xf32, #tpu.memory_space<hbm>> -> memref<80x128xf32, #tpu.memory_space<hbm>>
    %dma_start3A_282 = arith.constant 0 : i32
    %dma_start3A_283 = arith.constant 0 : i32
    %dma_start3A_284 = tpu.memref_slice %arg9[%dma_start3A_273, %dma_start3A_282, %dma_start3A_283] : memref<2x80x128xf32, #tpu.memory_space<vmem>> -> memref<1x80x128xf32, #tpu.memory_space<vmem>>
    %dma_start3A_285 = tpu.memref_squeeze %dma_start3A_284 : memref<1x80x128xf32, #tpu.memory_space<vmem>> -> memref<80x128xf32, #tpu.memory_space<vmem>>
    tpu.enqueue_dma source(%dma_start3A_285 : memref<80x128xf32, #tpu.memory_space<vmem>>) target(%dma_start3A_281 : memref<80x128xf32, #tpu.memory_space<hbm>>) target_semaphore(%arg13 : memref<!tpu.dma_semaphore, #tpu.memory_space<semaphore_mem>>)
    %dma_wait3A_286 = arith.constant 1 : i32
    %dma_wait3A_287 = arith.constant 0 : i32
    %dma_wait3A_288 = arith.constant 0 : i32
    %dma_wait3A_289 = tpu.memref_slice %arg9[%dma_wait3A_286, %dma_wait3A_287, %dma_wait3A_288] : memref<2x80x128xf32, #tpu.memory_space<vmem>> -> memref<1x80x128xf32, #tpu.memory_space<vmem>>
    %dma_wait3A_290 = tpu.memref_squeeze %dma_wait3A_289 : memref<1x80x128xf32, #tpu.memory_space<vmem>> -> memref<80x128xf32, #tpu.memory_space<vmem>>
    %dma_wait3A_291 = arith.constant 0 : i32
    %dma_wait3A_292 = tpu.memref_slice %arg6[%add3A_272, %dma_wait3A_291] : memref<10240x128xf32, #tpu.memory_space<hbm>> -> memref<80x128xf32, #tpu.memory_space<hbm>>
    %dma_wait3A_293 = arith.constant 0 : i32
    %dma_wait3A_294 = tpu.memref_slice %arg6[%add3A_272, %dma_wait3A_293] : memref<10240x128xf32, #tpu.memory_space<hbm>> -> memref<80x128xf32, #tpu.memory_space<hbm>>
    %dma_wait3A_295 = arith.constant 0 : i32
    %dma_wait3A_296 = arith.constant 0 : i32
    %dma_wait3A_297 = tpu.memref_slice %arg9[%dma_wait3A_286, %dma_wait3A_295, %dma_wait3A_296] : memref<2x80x128xf32, #tpu.memory_space<vmem>> -> memref<1x80x128xf32, #tpu.memory_space<vmem>>
    %dma_wait3A_298 = tpu.memref_squeeze %dma_wait3A_297 : memref<1x80x128xf32, #tpu.memory_space<vmem>> -> memref<80x128xf32, #tpu.memory_space<vmem>>
    tpu.wait_dma2 semaphore(%arg13 : memref<!tpu.dma_semaphore, #tpu.memory_space<semaphore_mem>>) src(%dma_wait3A_298 : memref<80x128xf32, #tpu.memory_space<vmem>>) dst(%dma_wait3A_294 : memref<80x128xf32, #tpu.memory_space<hbm>>)
    %dma_start3A_299 = arith.constant 1 : i32
    %dma_start3A_300 = arith.constant 0 : i32
    %dma_start3A_301 = arith.constant 0 : i32
    %dma_start3A_302 = tpu.memref_slice %arg9[%dma_start3A_299, %dma_start3A_300, %dma_start3A_301] : memref<2x80x128xf32, #tpu.memory_space<vmem>> -> memref<1x80x128xf32, #tpu.memory_space<vmem>>
    %dma_start3A_303 = tpu.memref_squeeze %dma_start3A_302 : memref<1x80x128xf32, #tpu.memory_space<vmem>> -> memref<80x128xf32, #tpu.memory_space<vmem>>
    %dma_start3A_304 = arith.constant 240 : i32
    %dma_start3A_305 = tpu.memref_slice %arg7[%dma_start3A_304] : memref<320xi32, #tpu.memory_space<vmem>> -> memref<80xi32, #tpu.memory_space<vmem>>
    %dma_start3A_306 = arith.constant 0 : i32
    %dma_start3A_307 = arith.constant 0 : i32
    %dma_start3A_308 = tpu.memref_slice %arg3[%dma_start3A_306, %dma_start3A_307] : memref<100000x128xf32, #tpu.memory_space<hbm>> -> memref<100000x128xf32, #tpu.memory_space<hbm>>
    tpu.enqueue_indirect_dma source(%dma_start3A_308 : memref<100000x128xf32, #tpu.memory_space<hbm>>) target(%dma_start3A_303 : memref<80x128xf32, #tpu.memory_space<vmem>>) offsets(%dma_start3A_305 : memref<80xi32, #tpu.memory_space<vmem>>) semaphore(%arg11 : memref<!tpu.dma_semaphore, #tpu.memory_space<semaphore_mem>>)
    %dma_wait3A_309 = arith.constant 0 : i32
    %dma_wait3A_310 = arith.constant 0 : i32
    %dma_wait3A_311 = arith.constant 0 : i32
    %dma_wait3A_312 = tpu.memref_slice %arg9[%dma_wait3A_309, %dma_wait3A_310, %dma_wait3A_311] : memref<2x80x128xf32, #tpu.memory_space<vmem>> -> memref<1x80x128xf32, #tpu.memory_space<vmem>>
    %dma_wait3A_313 = tpu.memref_squeeze %dma_wait3A_312 : memref<1x80x128xf32, #tpu.memory_space<vmem>> -> memref<80x128xf32, #tpu.memory_space<vmem>>
    %dma_wait3A_314 = arith.constant 160 : i32
    %dma_wait3A_315 = tpu.memref_slice %arg7[%dma_wait3A_314] : memref<320xi32, #tpu.memory_space<vmem>> -> memref<80xi32, #tpu.memory_space<vmem>>
    %dma_wait3A_316 = arith.constant 0 : i32
    %dma_wait3A_317 = arith.constant 0 : i32
    %dma_wait3A_318 = tpu.memref_slice %arg3[%dma_wait3A_316, %dma_wait3A_317] : memref<100000x128xf32, #tpu.memory_space<hbm>> -> memref<100000x128xf32, #tpu.memory_space<hbm>>
    tpu.wait_indirect_dma semaphore(%arg10 : memref<!tpu.dma_semaphore, #tpu.memory_space<semaphore_mem>>) src(%dma_wait3A_318 : memref<100000x128xf32, #tpu.memory_space<hbm>>) dst(%dma_wait3A_313 : memref<80x128xf32, #tpu.memory_space<vmem>>)
    %add3A_319 = arith.constant 160 : i32
    %add3A_320 = arith.addi %mul3A_2, %add3A_319 : i32
    %dma_start3A_321 = arith.constant 0 : i32
    %dma_start3A_322 = arith.constant 0 : i32
    %dma_start3A_323 = arith.constant 0 : i32
    %dma_start3A_324 = tpu.memref_slice %arg9[%dma_start3A_321, %dma_start3A_322, %dma_start3A_323] : memref<2x80x128xf32, #tpu.memory_space<vmem>> -> memref<1x80x128xf32, #tpu.memory_space<vmem>>
    %dma_start3A_325 = tpu.memref_squeeze %dma_start3A_324 : memref<1x80x128xf32, #tpu.memory_space<vmem>> -> memref<80x128xf32, #tpu.memory_space<vmem>>
    %dma_start3A_326 = arith.constant 0 : i32
    %dma_start3A_327 = tpu.memref_slice %arg6[%add3A_320, %dma_start3A_326] : memref<10240x128xf32, #tpu.memory_space<hbm>> -> memref<80x128xf32, #tpu.memory_space<hbm>>
    %dma_start3A_328 = arith.constant 0 : i32
    %dma_start3A_329 = tpu.memref_slice %arg6[%add3A_320, %dma_start3A_328] : memref<10240x128xf32, #tpu.memory_space<hbm>> -> memref<80x128xf32, #tpu.memory_space<hbm>>
    %dma_start3A_330 = arith.constant 0 : i32
    %dma_start3A_331 = arith.constant 0 : i32
    %dma_start3A_332 = tpu.memref_slice %arg9[%dma_start3A_321, %dma_start3A_330, %dma_start3A_331] : memref<2x80x128xf32, #tpu.memory_space<vmem>> -> memref<1x80x128xf32, #tpu.memory_space<vmem>>
    %dma_start3A_333 = tpu.memref_squeeze %dma_start3A_332 : memref<1x80x128xf32, #tpu.memory_space<vmem>> -> memref<80x128xf32, #tpu.memory_space<vmem>>
    tpu.enqueue_dma source(%dma_start3A_333 : memref<80x128xf32, #tpu.memory_space<vmem>>) target(%dma_start3A_329 : memref<80x128xf32, #tpu.memory_space<hbm>>) target_semaphore(%arg12 : memref<!tpu.dma_semaphore, #tpu.memory_space<semaphore_mem>>)
    %dma_wait3A_334 = arith.constant 1 : i32
    %dma_wait3A_335 = arith.constant 0 : i32
    %dma_wait3A_336 = arith.constant 0 : i32
    %dma_wait3A_337 = tpu.memref_slice %arg9[%dma_wait3A_334, %dma_wait3A_335, %dma_wait3A_336] : memref<2x80x128xf32, #tpu.memory_space<vmem>> -> memref<1x80x128xf32, #tpu.memory_space<vmem>>
    %dma_wait3A_338 = tpu.memref_squeeze %dma_wait3A_337 : memref<1x80x128xf32, #tpu.memory_space<vmem>> -> memref<80x128xf32, #tpu.memory_space<vmem>>
    %dma_wait3A_339 = arith.constant 240 : i32
    %dma_wait3A_340 = tpu.memref_slice %arg7[%dma_wait3A_339] : memref<320xi32, #tpu.memory_space<vmem>> -> memref<80xi32, #tpu.memory_space<vmem>>
    %dma_wait3A_341 = arith.constant 0 : i32
    %dma_wait3A_342 = arith.constant 0 : i32
    %dma_wait3A_343 = tpu.memref_slice %arg3[%dma_wait3A_341, %dma_wait3A_342] : memref<100000x128xf32, #tpu.memory_space<hbm>> -> memref<100000x128xf32, #tpu.memory_space<hbm>>
    tpu.wait_indirect_dma semaphore(%arg11 : memref<!tpu.dma_semaphore, #tpu.memory_space<semaphore_mem>>) src(%dma_wait3A_343 : memref<100000x128xf32, #tpu.memory_space<hbm>>) dst(%dma_wait3A_338 : memref<80x128xf32, #tpu.memory_space<vmem>>)
    %add3A_344 = arith.constant 240 : i32
    %add3A_345 = arith.addi %mul3A_2, %add3A_344 : i32
    %dma_start3A_346 = arith.constant 1 : i32
    %dma_start3A_347 = arith.constant 0 : i32
    %dma_start3A_348 = arith.constant 0 : i32
    %dma_start3A_349 = tpu.memref_slice %arg9[%dma_start3A_346, %dma_start3A_347, %dma_start3A_348] : memref<2x80x128xf32, #tpu.memory_space<vmem>> -> memref<1x80x128xf32, #tpu.memory_space<vmem>>
    %dma_start3A_350 = tpu.memref_squeeze %dma_start3A_349 : memref<1x80x128xf32, #tpu.memory_space<vmem>> -> memref<80x128xf32, #tpu.memory_space<vmem>>
    %dma_start3A_351 = arith.constant 0 : i32
    %dma_start3A_352 = tpu.memref_slice %arg6[%add3A_345, %dma_start3A_351] : memref<10240x128xf32, #tpu.memory_space<hbm>> -> memref<80x128xf32, #tpu.memory_space<hbm>>
    %dma_start3A_353 = arith.constant 0 : i32
    %dma_start3A_354 = tpu.memref_slice %arg6[%add3A_345, %dma_start3A_353] : memref<10240x128xf32, #tpu.memory_space<hbm>> -> memref<80x128xf32, #tpu.memory_space<hbm>>
    %dma_start3A_355 = arith.constant 0 : i32
    %dma_start3A_356 = arith.constant 0 : i32
    %dma_start3A_357 = tpu.memref_slice %arg9[%dma_start3A_346, %dma_start3A_355, %dma_start3A_356] : memref<2x80x128xf32, #tpu.memory_space<vmem>> -> memref<1x80x128xf32, #tpu.memory_space<vmem>>
    %dma_start3A_358 = tpu.memref_squeeze %dma_start3A_357 : memref<1x80x128xf32, #tpu.memory_space<vmem>> -> memref<80x128xf32, #tpu.memory_space<vmem>>
    tpu.enqueue_dma source(%dma_start3A_358 : memref<80x128xf32, #tpu.memory_space<vmem>>) target(%dma_start3A_354 : memref<80x128xf32, #tpu.memory_space<hbm>>) target_semaphore(%arg13 : memref<!tpu.dma_semaphore, #tpu.memory_space<semaphore_mem>>)
    %dma_wait3A_359 = arith.constant 0 : i32
    %dma_wait3A_360 = arith.constant 0 : i32
    %dma_wait3A_361 = arith.constant 0 : i32
    %dma_wait3A_362 = tpu.memref_slice %arg9[%dma_wait3A_359, %dma_wait3A_360, %dma_wait3A_361] : memref<2x80x128xf32, #tpu.memory_space<vmem>> -> memref<1x80x128xf32, #tpu.memory_space<vmem>>
    %dma_wait3A_363 = tpu.memref_squeeze %dma_wait3A_362 : memref<1x80x128xf32, #tpu.memory_space<vmem>> -> memref<80x128xf32, #tpu.memory_space<vmem>>
    %dma_wait3A_364 = arith.constant 0 : i32
    %dma_wait3A_365 = tpu.memref_slice %arg6[%add3A_320, %dma_wait3A_364] : memref<10240x128xf32, #tpu.memory_space<hbm>> -> memref<80x128xf32, #tpu.memory_space<hbm>>
    %dma_wait3A_366 = arith.constant 0 : i32
    %dma_wait3A_367 = tpu.memref_slice %arg6[%add3A_320, %dma_wait3A_366] : memref<10240x128xf32, #tpu.memory_space<hbm>> -> memref<80x128xf32, #tpu.memory_space<hbm>>
    %dma_wait3A_368 = arith.constant 0 : i32
    %dma_wait3A_369 = arith.constant 0 : i32
    %dma_wait3A_370 = tpu.memref_slice %arg9[%dma_wait3A_359, %dma_wait3A_368, %dma_wait3A_369] : memref<2x80x128xf32, #tpu.memory_space<vmem>> -> memref<1x80x128xf32, #tpu.memory_space<vmem>>
    %dma_wait3A_371 = tpu.memref_squeeze %dma_wait3A_370 : memref<1x80x128xf32, #tpu.memory_space<vmem>> -> memref<80x128xf32, #tpu.memory_space<vmem>>
    tpu.wait_dma2 semaphore(%arg12 : memref<!tpu.dma_semaphore, #tpu.memory_space<semaphore_mem>>) src(%dma_wait3A_371 : memref<80x128xf32, #tpu.memory_space<vmem>>) dst(%dma_wait3A_367 : memref<80x128xf32, #tpu.memory_space<hbm>>)
    %dma_wait3A_372 = arith.constant 1 : i32
    %dma_wait3A_373 = arith.constant 0 : i32
    %dma_wait3A_374 = arith.constant 0 : i32
    %dma_wait3A_375 = tpu.memref_slice %arg9[%dma_wait3A_372, %dma_wait3A_373, %dma_wait3A_374] : memref<2x80x128xf32, #tpu.memory_space<vmem>> -> memref<1x80x128xf32, #tpu.memory_space<vmem>>
    %dma_wait3A_376 = tpu.memref_squeeze %dma_wait3A_375 : memref<1x80x128xf32, #tpu.memory_space<vmem>> -> memref<80x128xf32, #tpu.memory_space<vmem>>
    %dma_wait3A_377 = arith.constant 0 : i32
    %dma_wait3A_378 = tpu.memref_slice %arg6[%add3A_345, %dma_wait3A_377] : memref<10240x128xf32, #tpu.memory_space<hbm>> -> memref<80x128xf32, #tpu.memory_space<hbm>>
    %dma_wait3A_379 = arith.constant 0 : i32
    %dma_wait3A_380 = tpu.memref_slice %arg6[%add3A_345, %dma_wait3A_379] : memref<10240x128xf32, #tpu.memory_space<hbm>> -> memref<80x128xf32, #tpu.memory_space<hbm>>
    %dma_wait3A_381 = arith.constant 0 : i32
    %dma_wait3A_382 = arith.constant 0 : i32
    %dma_wait3A_383 = tpu.memref_slice %arg9[%dma_wait3A_372, %dma_wait3A_381, %dma_wait3A_382] : memref<2x80x128xf32, #tpu.memory_space<vmem>> -> memref<1x80x128xf32, #tpu.memory_space<vmem>>
    %dma_wait3A_384 = tpu.memref_squeeze %dma_wait3A_383 : memref<1x80x128xf32, #tpu.memory_space<vmem>> -> memref<80x128xf32, #tpu.memory_space<vmem>>
    tpu.wait_dma2 semaphore(%arg13 : memref<!tpu.dma_semaphore, #tpu.memory_space<semaphore_mem>>) src(%dma_wait3A_384 : memref<80x128xf32, #tpu.memory_space<vmem>>) dst(%dma_wait3A_380 : memref<80x128xf32, #tpu.memory_space<hbm>>)
    return
  }
}

module attributes {stable_mosaic.version = 14 : i64} {
  func.func @_tc_body(%arg0: i32, %arg1: memref<2048x256xf32, #tpu.memory_space<vmem>>, %arg2: memref<2048x128xf32, #tpu.memory_space<vmem>>, %arg3: memref<128x256xf32, #tpu.memory_space<vmem>>, %arg4: memref<2048x128xf32, #tpu.memory_space<vmem>>) attributes {dimension_semantics = [#tpu.dimension_semantics<arbitrary>], iteration_bounds = array<i64: 5>, scalar_prefetch = 0 : i64, scratch_operands = 0 : i64, tpu.core_type = #tpu.core_type<tc>, window_params = [{transform_indices = @transform_0, window_bounds = array<i64: 2048, 256>}, {transform_indices = @transform_1, window_bounds = array<i64: 2048, 128>}, {pipeline_mode = #tpu.pipeline_mode<synchronous>, transform_indices = @transform_2, window_bounds = array<i64: 128, 256>}, {transform_indices = @transform_3, window_bounds = array<i64: 2048, 128>}]} {
    %get3A = arith.constant 0 : index
    %get3A_0 = arith.constant 0 : index
    %get3A_1 = vector.load %arg1[%get3A, %get3A_0] : memref<2048x256xf32, #tpu.memory_space<vmem>>, vector<2048x256xf32>
    %get3A_2 = arith.constant 0 : index
    %get3A_3 = arith.constant 0 : index
    %get3A_4 = vector.load %arg3[%get3A_2, %get3A_3] : memref<128x256xf32, #tpu.memory_space<vmem>>, vector<128x256xf32>
    %dot_general3A = arith.constant dense<0.000000e+00> : vector<2048x128xf32>
    %dot_general3A_5 = tpu.matmul %get3A_1, %get3A_4, %dot_general3A {dimension_numbers = #tpu.dot_dimension_numbers<[1], [1], [0], [0], [0, 0, 1, 0], [], []>, transpose_lhs_hint = false} : vector<2048x256xf32>, vector<128x256xf32>, vector<2048x128xf32> -> vector<2048x128xf32>
    %get3A_6 = arith.constant 0 : index
    %get3A_7 = arith.constant 0 : index
    %get3A_8 = vector.load %arg2[%get3A_6, %get3A_7] : memref<2048x128xf32, #tpu.memory_space<vmem>>, vector<2048x128xf32>
    %mul3A = arith.constant 2.000000e+00 : f32
    %mul3A_9 = vector.broadcast %mul3A : f32 to vector<2048x128xf32>
    %mul3A_10 = arith.mulf %dot_general3A_5, %mul3A_9 : vector<2048x128xf32>
    %add3A = arith.addf %get3A_8, %mul3A_10 : vector<2048x128xf32>
    %swap3A = arith.constant 0 : index
    %swap3A_11 = arith.constant 0 : index
    %swap3A_12 = vector.load %arg4[%swap3A, %swap3A_11] : memref<2048x128xf32, #tpu.memory_space<vmem>>, vector<2048x128xf32>
    tpu.vector_store %arg4[%swap3A, %swap3A_11], %add3A {strides = array<i32>} : memref<2048x128xf32, #tpu.memory_space<vmem>>, vector<2048x128xf32>,
    return
  }
  func.func @transform_0(%arg0: i32) -> (i32, i32) {
    %c0_i32 = arith.constant 0 : i32
    %c0_i32_0 = arith.constant 0 : i32
    return %arg0, %c0_i32 : i32, i32
  }
  func.func @transform_1(%arg0: i32) -> (i32, i32) {
    %c0_i32 = arith.constant 0 : i32
    %c0_i32_0 = arith.constant 0 : i32
    return %arg0, %c0_i32 : i32, i32
  }
  func.func @transform_2(%arg0: i32) -> (i32, i32) {
    %c0_i32 = arith.constant 0 : i32
    %c0_i32_0 = arith.constant 0 : i32
    %c0_i32_1 = arith.constant 0 : i32
    return %c0_i32, %c0_i32_0 : i32, i32
  }
  func.func @transform_3(%arg0: i32) -> (i32, i32) {
    %c0_i32 = arith.constant 0 : i32
    %c0_i32_0 = arith.constant 0 : i32
    return %arg0, %c0_i32 : i32, i32
  }
}

module attributes {stable_mosaic.version = 14 : i64} {
  func.func @_tc_body_alias(%arg0: i32, %arg1: memref<2048x256xf32, #tpu.memory_space<vmem>>, %arg2: memref<2048x128xf32, #tpu.memory_space<vmem>>, %arg3: memref<128x256xf32, #tpu.memory_space<vmem>>, %arg4: memref<20480x128xf32, #tpu.memory_space<any>>, %arg5: memref<2048x128xf32, #tpu.memory_space<vmem>>) attributes {dimension_semantics = [#tpu.dimension_semantics<arbitrary>], iteration_bounds = array<i64: 5>, scalar_prefetch = 0 : i64, scratch_operands = 0 : i64, tpu.core_type = #tpu.core_type<tc>, window_params = [{transform_indices = @transform_0, window_bounds = array<i64: 2048, 256>}, {transform_indices = @transform_1, window_bounds = array<i64: 2048, 128>}, {pipeline_mode = #tpu.pipeline_mode<synchronous>, transform_indices = @transform_2, window_bounds = array<i64: 128, 256>}, {}, {transform_indices = @transform_4, window_bounds = array<i64: 2048, 128>}]} {
    %get3A = arith.constant 0 : index
    %get3A_0 = arith.constant 0 : index
    %get3A_1 = vector.load %arg1[%get3A, %get3A_0] : memref<2048x256xf32, #tpu.memory_space<vmem>>, vector<2048x256xf32>
    %get3A_2 = arith.constant 0 : index
    %get3A_3 = arith.constant 0 : index
    %get3A_4 = vector.load %arg3[%get3A_2, %get3A_3] : memref<128x256xf32, #tpu.memory_space<vmem>>, vector<128x256xf32>
    %dot_general3A = arith.constant dense<0.000000e+00> : vector<2048x128xf32>
    %dot_general3A_5 = tpu.matmul %get3A_1, %get3A_4, %dot_general3A {dimension_numbers = #tpu.dot_dimension_numbers<[1], [1], [0], [0], [0, 0, 1, 0], [], []>, transpose_lhs_hint = false} : vector<2048x256xf32>, vector<128x256xf32>, vector<2048x128xf32> -> vector<2048x128xf32>
    %get3A_6 = arith.constant 0 : index
    %get3A_7 = arith.constant 0 : index
    %get3A_8 = vector.load %arg2[%get3A_6, %get3A_7] : memref<2048x128xf32, #tpu.memory_space<vmem>>, vector<2048x128xf32>
    %mul3A = arith.constant 2.000000e+00 : f32
    %mul3A_9 = vector.broadcast %mul3A : f32 to vector<2048x128xf32>
    %mul3A_10 = arith.mulf %dot_general3A_5, %mul3A_9 : vector<2048x128xf32>
    %add3A = arith.addf %get3A_8, %mul3A_10 : vector<2048x128xf32>
    %swap3A = arith.constant 0 : index
    %swap3A_11 = arith.constant 0 : index
    %swap3A_12 = vector.load %arg5[%swap3A, %swap3A_11] : memref<2048x128xf32, #tpu.memory_space<vmem>>, vector<2048x128xf32>
    tpu.vector_store %arg5[%swap3A, %swap3A_11], %add3A {strides = array<i32>} : memref<2048x128xf32, #tpu.memory_space<vmem>>, vector<2048x128xf32>,
    return
  }
  func.func @transform_0(%arg0: i32) -> (i32, i32) {
    %c0_i32 = arith.constant 0 : i32
    %c0_i32_0 = arith.constant 0 : i32
    return %arg0, %c0_i32 : i32, i32
  }
  func.func @transform_1(%arg0: i32) -> (i32, i32) {
    %c0_i32 = arith.constant 0 : i32
    %c0_i32_0 = arith.constant 0 : i32
    return %arg0, %c0_i32 : i32, i32
  }
  func.func @transform_2(%arg0: i32) -> (i32, i32) {
    %c0_i32 = arith.constant 0 : i32
    %c0_i32_0 = arith.constant 0 : i32
    %c0_i32_1 = arith.constant 0 : i32
    return %c0_i32, %c0_i32_0 : i32, i32
  }
  func.func @transform_4(%arg0: i32) -> (i32, i32) {
    %add3A = arith.constant 5 : i32
    %add3A_0 = arith.addi %arg0, %add3A : i32
    %c0_i32 = arith.constant 0 : i32
    %c0_i32_1 = arith.constant 0 : i32
    return %add3A_0, %c0_i32 : i32, i32
  }
}

</mosaic_0001>

<sc_bundles>
// kernel: kernel.6.cloned.1.call-start
scs
__scs_entry_jumppad:
0x0: {  	(pc) =	sbr.rel $0x88, $3  }
0x1: {  	(tag) =	ssettag $0x0;
	lr =	simm.s32 $0x1  }
0x2: {  	[smem:$0x3F9D] =	sst lr;
	_ =	strace $0xD0000000  }
0x3: {  	_ = 	snop  }
0x4: {  	_ = 	snop  }
0x5: {  	_ = 	snop  }
0x6: {  	_ = 	snop  }
0x7: {  	_ = 	snop  }
__scs_overlays_trampoline_lowered:
0x8: {  	[smem:$0x3FAC] =	sst s0  }
0x9: {  	[smem:$0x3FAD] =	sst s1  }
0xa: {  	[smem:$0x3FAE] =	sst s2  }
0xb: {  	[smem:$0x3FAF] =	sst s3  }
0xc: {  	[smem:$0x3FB0] =	sst s4  }
0xd: {  	[smem:$0x3FB1] =	sst s5  }
0xe: {  	[smem:$0x3FB2] =	sst s6  }
0xf: {  	[smem:$0x3FB3] =	sst s7  }
0x10: {  	[smem:$0x3FB4] =	sst s8  }
0x11: {  	[smem:$0x3FB5] =	sst s9;
	s0 =	simm.s32 @!p0 $0x0  }
0x12: {  	s1 =	sld [smem:$0x3F9B];
	s0 =	simm.s32 @p0 $0x1  }
0x13: {  	[smem:$0x3FB6] =	sst s0;
	s0 =	simm.s32 @!p1 $0x0  }
0x14: {  	s2 =	sld [smem:$0x3F9A];
	s0 =	simm.s32 @p1 $0x1  }
0x15: {  	[smem:$0x3FB7] =	sst s0;
	s0 =	simm.s32 @!p2 $0x0  }
0x16: {  	s3 =	sld [smem:$0x3FDB];
	s0 =	simm.s32 @p2 $0x1  }
0x17: {  	s4 =	simm.s32 $0x1BF5;
	[smem:$0x3FB9] =	sst s0  }
0x18: {  	s0 =	sld [smem:$0x3F9C];
	_ =	swait.ge [sflag:s4], $0x0  }
0x19: {  	s7 =	sld [smem:$0x3F9D]  }
0x1a: {  	s8 =	sadd.s32 $0xFFFFE003, lr  }
0x1b: {  	s9 =	sadd.s32 $0xFFFFFEF7, lr;
	s5 =	simm.s32 $0xFFFFFFFF;
	p2 =	slt.u32 s8, $0xFFFFF086  }
0x1c: {  	p1 =	slt.u32 s9, $0xF7A;
	s5 =	simm.s32 @!p2 $0x0  }
0x1d: {  	s5 =	simm.s32 @p1 $0x1;
	p0 =	seq.s32 s7, s2  }
0x1e: {  	s7 =	smul.u32 @!p0 $0xF7A, s2;
	p2 =	seq.s32 @!p0 s5, $0x0  }
0x1f: {  	s9 =	smul.u32 $0xF7A, s1;
	s8 =	simm.s32 @!p0 $0x1BF5;
	p2 =	por !p2, p0  }
0x20: {  	[sflag:s8] =	ssyncset.s32 @!p0 $0xFFFFF086;
	s6 =	sadd.s32 @!p0 s3, s7;
	s7 =	simm.s32 @!p0 $0x108  }
0x21: {  	s3 =	sadd.s32 s3, s9;
	s6 =	sadd.s32 @!p0 $0x88, s6;
	s7 =	simm.s32 @p2 $0x1082  }
0x22: {  	[simem:s7], [sflag:s8] =	dma.local @!p0 [hbm:s6], $0xF7A  }
0x23: {  	s9 =	sor.u32 $0xD0000000, s2;
	s6 =	simm.s32 $0x108;
	_ =	swait.ge @!p0 [sflag:s8], $0x0  }
0x24: {  	s3 =	sadd.s32 $0x88, s3;
	s6 =	simm.s32 @!p1 $0x1082;
	[sflag:s4] =	ssyncset.s32 $0xFFFFF086  }
0x25: {  	[simem:s6], [sflag:s4] =	dma.local [hbm:s3], $0xF7A  }
0x26: {  	[smem:$0x3F9D] =	sst s1;
	(tag) =	ssettag s2;
	_ =	strace s9  }
0x27: {  	s1 =	sld [smem:$0x3FAD]  }
0x28: {  	s2 =	sld [smem:$0x3FAE]  }
0x29: {  	s4 =	sld [smem:$0x3FB0]  }
0x2a: {  	p0 =	seq.s32 s5, $0x0;
	s5 =	sld [smem:$0x3FB1]  }
0x2b: {  	s6 =	sld [smem:$0x3FB2]  }
0x2c: {  	s7 =	sld [smem:$0x3FB3]  }
0x2d: {  	s3 =	simm.s32 $0x108;
	s8 =	sld [smem:$0x3FB4]  }
0x2e: {  	s3 =	simm.s32 @!p0 $0x1082;
	s9 =	sld [smem:$0x3FB5]  }
0x2f: {  	lr =	sadd.s32 s0, s3;
	s0 =	sld [smem:$0x3FAC]  }
0x30: {  	s3 =	sld [smem:$0x3FAF]  }
0x31: {  	[smem:$0x3FB8] =	sst s10  }
0x32: {  	s10 =	sld [smem:$0x3FB6];
	_ =	sdelay $0x3  }
0x33: {  	p0 =	seq.s32 s10, $0x1;
	s10 =	sld [smem:$0x3FB8];
	_ =	sdelay $0x3  }
0x34: {  	[smem:$0x3FB8] =	sst s10  }
0x35: {  	s10 =	sld [smem:$0x3FB7];
	_ =	sdelay $0x3  }
0x36: {  	p1 =	seq.s32 s10, $0x1;
	s10 =	sld [smem:$0x3FB8];
	_ =	sdelay $0x3  }
0x37: {  	[smem:$0x3FB8] =	sst s10  }
0x38: {  	s10 =	sld [smem:$0x3FB9]  }
0x39: {  	_ = 	snop;
	(pc) =	sbr.ind lr, $3  }
0x3a: {  	_ = 	snop  }
0x3b: {  	_ = 	snop  }
0x3c: {  	p2 =	seq.s32 s10, $0x1;
	s10 =	sld [smem:$0x3FB8]  }
0x3d: {  	_ =	shalt  }
0x3e: {  	_ =	shalt  }
0x3f: {  	_ =	shalt  }
0x40: {  	_ =	shalt  }
0x41: {  	_ =	shalt  }
0x42: {  	_ =	shalt  }
0x43: {  	_ =	shalt  }
0x44: {  	_ =	shalt  }
0x45: {  	_ =	shalt  }
0x46: {  	_ =	shalt  }
0x47: {  	_ =	shalt  }
0x48: {  	_ =	shalt  }
0x49: {  	_ =	shalt  }
0x4a: {  	_ =	shalt  }
0x4b: {  	_ =	shalt  }
0x4c: {  	_ =	shalt  }
0x4d: {  	_ =	shalt  }
0x4e: {  	_ =	shalt  }
0x4f: {  	_ =	shalt  }
0x50: {  	_ =	shalt  }
0x51: {  	_ =	shalt  }
0x52: {  	_ =	shalt  }
0x53: {  	_ =	shalt  }
0x54: {  	_ =	shalt  }
0x55: {  	_ =	shalt  }
0x56: {  	_ =	shalt  }
0x57: {  	_ =	shalt  }
0x58: {  	_ =	shalt  }
0x59: {  	_ =	shalt  }
0x5a: {  	_ =	shalt  }
0x5b: {  	_ =	shalt  }
0x5c: {  	_ =	shalt  }
0x5d: {  	_ =	shalt  }
0x5e: {  	_ =	shalt  }
0x5f: {  	_ =	shalt  }
0x60: {  	_ =	shalt  }
0x61: {  	_ =	shalt  }
0x62: {  	_ =	shalt  }
0x63: {  	_ =	shalt  }
0x64: {  	_ =	shalt  }
0x65: {  	_ =	shalt  }
0x66: {  	_ =	shalt  }
0x67: {  	_ =	shalt  }
0x68: {  	_ =	shalt  }
0x69: {  	_ =	shalt  }
0x6a: {  	_ =	shalt  }
0x6b: {  	_ =	shalt  }
0x6c: {  	_ =	shalt  }
0x6d: {  	_ =	shalt  }
0x6e: {  	_ =	shalt  }
0x6f: {  	_ =	shalt  }
0x70: {  	_ =	shalt  }
0x71: {  	_ =	shalt  }
0x72: {  	_ =	shalt  }
0x73: {  	_ =	shalt  }
0x74: {  	_ =	shalt  }
0x75: {  	_ =	shalt  }
0x76: {  	_ =	shalt  }
0x77: {  	_ =	shalt  }
0x78: {  	_ =	shalt  }
0x79: {  	_ =	shalt  }
0x7a: {  	_ =	shalt  }
0x7b: {  	_ =	shalt  }
0x7c: {  	_ =	shalt  }
0x7d: {  	_ =	shalt  }
0x7e: {  	_ =	shalt  }
0x7f: {  	_ =	shalt  }
0x80: {  	_ =	shalt  }
0x81: {  	_ =	shalt  }
0x82: {  	_ =	shalt  }
0x83: {  	_ =	shalt  }
0x84: {  	_ =	shalt  }
0x85: {  	_ =	shalt  }
0x86: {  	_ =	shalt  }
0x87: {  	_ =	shalt  }
.Lfunc_end0:
.L_simem_size_0:
called_computation_lowered:
.L_overlay_start_0:
0x88: {  	s2 =	sld [smem:$0x3FD9]  }
0x89: {  	s3 =	sld [smem:$0x3FFE];
	_ =	sdelay $0x1  }
0x8a: {  	s1 =	srdreg.scid  }
0x8b: {  	s0 =	sand.u32 $0x1, s1  }
0x8c: {  	s17 =	sshll.u32 s0, $0xA;
	s2 =	sadd.s32 s3, s2  }
0x8d: {  	s2 =	sadd.s32 s2, s17  }
0x8e: {  	[smem:$0x3FC4] =	sst s2  }
0x8f: {  	_ = 	snop  }
0x90: {  	s2 =	sld [smem:$0x3FC8]  }
0x91: {  	s18 =	sld [smem:$0x3FC7]  }
0x92: {  	s4 =	sld [smem:$0x3FD0];
	(tm) =	ssettm $0x1  }
0x93: {  	s5 =	sld [smem:$0x3FFB];
	_ =	sdelay $0x3  }
0x94: {  	_ =	strace s5  }
0x95: {  	s5 =	sld [smem:$0x3FFC];
	_ =	sdelay $0x3  }
0x96: {  	_ =	strace s5  }
0x97: {  	s5 =	sld [smem:$0x3FFD];
	_ =	sdelay $0x3  }
0x98: {  	_ =	strace s5  }
0x99: {  	_ =	strace $0x8FFFFFFF  }
0x9a: {  	s19 =	sld [smem:$0x3FDB];
	_ =	sdelay $0x1  }
0x9b: {  	s6 =	simm.s32 $_scs_section_size  }
0x9c: {  	s7 =	simm.s32 $_size__tile_overlayer_lowered;
	s8 =	simm.s32 $_tile_overlayer_lowered  }
0x9d: {  	s22 =	simm.s32 $0x1BFF;
	s21 =	sshll.u32 s8, $0x1;
	s5 =	sadd.s32 s6, s19  }
0x9e: {  	s9 =	simm.s32 $0x0;
	s20 =	sshll.u32 s7, $0x1;
	s7 =	sadd.s32 s21, s5  }
0x9f: {  	[timem:s9], [sflag:s22] =	dma.local [hbm:s7], s20  }
0xa0: {  	_ =	swait.ge [sflag:s22], s20  }
0xa1: {  	s6 =	ssub.s32 $0x0, s20;
	[sflag:s22] =	ssyncset.done $0x0  }
0xa2: {  	[sflag:s22] =	ssyncadd.s32 s6;
	_ =	sdelay $0x1  }
0xa3: {  	s23 =	simm.s32 $0x1B8B  }
0xa4: {  	_ =	swait.ge [sflag:s23], $0x1  }
0xa5: {  	[sflag:s23] =	ssyncset.done $0x0  }
0xa6: {  	s25 =	simm.s32 $0x1B8E;
	s24 =	sld [smem:$0x3FFE];
	[sflag:s23] =	ssyncadd.s32 $0xFFFFFFFF  }
0xa7: {  	s26 =	simm.s32 $execute0_lowered;
	[smem:$0x3FD2] =	sst s25  }
0xa8: {  	s7 =	sshll.u32 s26, $0x1;
	_ =	strace $0x80000046;
	[dreg:$0x1] =	wrdreg $0xFFFFFFFF  }
0xa9: {  	s28 =	simm.s32 $_size_execute0_lowered;
	s5 =	sadd.s32 s5, s7;
	[dreg:$0x0] =	wrdreg $0x0  }
0xaa: {  	s7 =	sshll.u32 s28, $0x1;
	[dreg:$0x2] =	wrdreg s5  }
0xab: {  	[dreg:$0x3] =	wrdreg s7  }
0xac: {  	[dreg:$0x4] =	wrdreg $0xC0  }
0xad: {  	_ =	task [dreg:s9], $0x5FFFF  }
0xae: {  	[dreg:$0x1] =	wrdreg $0xFFFFFFFF  }
0xaf: {  	[dreg:$0x0] =	wrdreg $0x60  }
0xb0: {  	[dreg:$0x2] =	wrdreg s18  }
0xb1: {  	[dreg:$0x3] =	wrdreg s2  }
0xb2: {  	[dreg:$0x4] =	wrdreg s24  }
0xb3: {  	[dreg:$0x5] =	wrdreg s4  }
0xb4: {  	[dreg:$0x6] =	wrdreg $0x9  }
0xb5: {  	_ =	task.clear_ibuf [dreg:s9], $0x7FFFF;
	_ =	strace $0x90000046  }
0xb6: {  	s29 =	simm.s32 $0x9;
	_ =	strace $0x80000048  }
0xb7: {  	_ =	swait.ge [sflag:s29], $0x1  }
0xb8: {  	[sflag:s29] =	ssyncadd.s32 $0xFFFFFFFF  }
0xb9: {  	_ =	strace $0x90000048  }
0xba: {  	_ =	sfence  }
0xbb: {  	s30 =	sld [smem:$0x0];
	_ =	sdelay $0x2  }
0xbc: {  	s31 =	sshll.u32 s1, $0xD;
	s1 =	sshrl.u32 s1, $0x2  }
0xbd: {  	s3 =	sand.u32 $0x4000, s31;
	s1 =	sadd.s32 s1, s30  }
0xbe: {  	s0 =	sor.u32 s3, s0;
	s1 =	sshll.u32 s1, $0x11  }
0xbf: {  	s0 =	sor.u32 s1, s0  }
0xc0: {  	s0 =	sadd.s32 $0x8F2B, s0  }
0xc1: {  	[sflag:s0] =	ssyncadd.remote.s32 $0x1  }
0xc2: {  	_ =	sfence.sel $0xFFFF  }
0xc3: {  	[dreg:$0x0] =	wrdreg $0xFFFFFFFF;
	(pc) =	sbr.abs _section_cstart, $3  }
0xc4: {  	[dreg:$0x1] =	wrdreg $0xFFFFFFFF  }
0xc5: {  	_ =	task.clear_ibuf [dreg:s9], $0x2FFFF;
	_ =	strace $0x9FFFFFFF  }
0xc6: {  	(tm) =	ssettm $0x7FFFFFFF  }
0xc7: {  	_ =	shalt  }
tec
execute0_lowered:
.L_overlay_start_1:
0x0: {  	(tag) =	ssettag $0x1  }
0x1: {  	s1 =	rddreg [dreg:$0x0]  }
0x2: {  	s0 =	srdreg.scid;
	s5 =	rddreg [dreg:$0x2]  }
0x3: {  	s3 =	stileid.u32;
	s6 =	rddreg [dreg:$0x3]  }
0x4: {  	s4 =	simm.s32 $0x0;
	s25 =	simm.s32 $0xA0;
	s26 =	simm.s32 $0xF0  }
0x5: {  	s28 =	simm.s32 $0x1;
	s29 =	simm.s32 $0x3;
	s30 =	simm.s32 $0x2  }
0x6: {  	s31 =	simm.s32 $0x4;
	s0 =	sand.u32 $0x1, s0;
	s3 =	sshll.u32 s3, $0x1  }
0x7: {  	s12 =	simm.s32 $0x1980;
	[smem:$0x7FF] =	sst s4;
	s3 =	sor.u32 s0, s3  }
0x8: {  	_ =	strace $0x80000047;
	s0 =	ssub.s32 $0x2, s0;
	[dreg:$0xe] =	wrdreg s25  }
0x9: {  	[dreg:$0xf] =	wrdreg s26;
	s25 =	simm.s32 $0x8180;
	s7 =	smul.u32 $0x140, s3  }
0xa: {  	s26 =	simm.s32 $0x8980;
	s9 =	smul.u32 $0x2800, s3;
	s23 =	sshrl.u32 s0, $0x1  }
0xb: {  	s3 =	smul.u32 $0x1400, s3;
	s0 =	ssub.s32 s0, s23;
	s23 =	simm.s32 $0x7180  }
0xc: {  	s8 =	sshrl.u32 s7, $0x3;
	s10 =	sadd.s32 $0x50, s7;
	s13 =	sadd.s32 s6, s9  }
0xd: {  	s16 =	sadd.s32 $0xA0, s7;
	s7 =	sadd.s32 $0xF0, s7;
	s8 =	sadd.s32 s8, s5  }
0xe: {  	s5 =	sadd.s32 $0x2200, s5;
	s14 =	sshll.u32 s10, $0x5;
	[dreg:$0x6] =	wrdreg s13  }
0xf: {  	s17 =	sshll.u32 s16, $0x5;
	s11 =	sshll.u32 s7, $0x5;
	s18 =	sshll.u32 s10, $0x4  }
0x10: {  	s20 =	sshll.u32 s16, $0x4;
	s22 =	sshll.u32 s7, $0x4;
	s7 =	simm.s32 $0x180  }
0x11: {  	s10 =	simm.s32 $0x980;
	s13 =	simm.s32 $0x2180;
	s16 =	simm.s32 $0x3980  }
0x12: {  	s8 =	sadd.s32 $0x1C00, s8;
	s15 =	sadd.s32 s6, s14;
	s3 =	sadd.s32 s5, s3  }
0x13: {  	s19 =	sadd.s32 s5, s18;
	s21 =	sadd.s32 s5, s20;
	[dreg:$0x5] =	wrdreg s8  }
0x14: {  	s24 =	sadd.s32 s5, s22;
	s5 =	smax.u32 s0, $0x1;
	[dreg:$0x7] =	wrdreg s15  }
0x15: {  	s0 =	simm.s32 $0xA180;
	s14 =	simm.s32 $0x2980;
	[dreg:$0xa] =	wrdreg s3  }
0x16: {  	s18 =	simm.s32 $0x4180;
	s20 =	simm.s32 $0x5980;
	[dreg:$0xb] =	wrdreg s19  }
0x17: {  	s22 =	simm.s32 $0x6980;
	s8 =	sadd.s32 s6, s17;
	[dreg:$0xc] =	wrdreg s21  }
0x18: {  	s6 =	sadd.s32 s6, s11;
	[dreg:$0xd] =	wrdreg s24;
	s17 =	simm.s32 $0x5180  }
0x19: {  	v2 =	vlaneseq.u32;
	s3 =	simm.s32 $0x50;
	s11 =	simm.s32 $0x1180;
	s15 =	simm.s32 $0x3180  }
0x1a: {  	vm0 =	vmmov $0xffff;
	v1 =	vshrl.u32 v2, $0x3;
	s19 =	simm.s32 $0x4980;
	s21 =	simm.s32 $0x6180;
	[dreg:$0x8] =	wrdreg s8  }
0x1b: {  	v0 =	vand.u32 $0x7, v2;
	v2 =	vor.u32 $0x8, v2;
	v1 =	vmul.u32 $0x8, v1;
	s24 =	simm.s32 $0x7980;
	[dreg:$0x9] =	wrdreg s6;
	s8 =	simm.s32 $0xC980  }
.LBB2_1:
0x1c: {  	s9 =	rddreg [dreg:$0x5];
	s6 =	simm.s32 $0x5  }
0x1d: {  	[tilespmem:s4], [sflag:$0x5] =	stream.linear.gather [hbm4b:s9+s4], $0x140, $0x38;
	[tilespmem:$0xF180] =	vst v63  }
0x1e: {  	_ =	swait.ge [sflag:s6], $0x140  }
0x1f: {  	[sflag:s6] =	ssyncset.done $0x0  }
0x20: {  	[sflag:s6] =	ssyncadd.s32 $0xFFFFFEC0  }
0x21: {  	v3 =	vld [tilespmem:$0x0];
	_ =	sdelay $0x4  }
0x22: {  	v4 =	vshll.u32 v3, $0x1  }
0x23: {  	v3 =	vand.u32 $0x7, v3;
	v4 =	vand.u32 $0xFFFFFFF0, v4  }
0x24: {  	v3 =	vor.u32 v3, v4  }
0x25: {  	v4 =	vperm.xlane v3, v0;
	_ =	sdelay $0x1  }
0x26: {  	v3 =	vperm.xlane v3, v2;
	v4 =	vadd.s32 v1, v4;
	_ =	sdelay $0x1  }
0x27: {  	v3 =	vadd.s32 v1, v3;
	_ =	sdelay $0x2  }
0x28: {  	[tilespmem:s7], [sflag:$0x1] =	stream.indirect_vreg.gather [hbm4b:s1+s4], $0x80, v4, vm0, $0xb8;
	[tilespmem:$0xF180] =	vst v63  }
0x29: {  	_ = 	snop  }
0x2a: {  	[tilespmem:s10], [sflag:$0x1] =	stream.indirect_vreg.gather [hbm4b:s1+s4], $0x80, v3, vm0, $0xb8;
	[tilespmem:$0xF180] =	vst v63  }
0x2b: {  	v3 =	vld [tilespmem:$0x10];
	_ =	sdelay $0x4  }
0x2c: {  	v45 =	vshll.u32 v3, $0x1  }
0x2d: {  	v3 =	vand.u32 $0x7, v3;
	v4 =	vand.u32 $0xFFFFFFF0, v45  }
0x2e: {  	v3 =	vor.u32 v3, v4  }
0x2f: {  	v4 =	vperm.xlane v3, v0;
	_ =	sdelay $0x1  }
0x30: {  	v3 =	vperm.xlane v3, v2;
	v4 =	vadd.s32 v1, v4;
	_ =	sdelay $0x1  }
0x31: {  	v3 =	vadd.s32 v1, v3;
	_ =	sdelay $0x2  }
0x32: {  	[tilespmem:s11], [sflag:$0x1] =	stream.indirect_vreg.gather [hbm4b:s1+s4], $0x80, v4, vm0, $0xb8;
	[tilespmem:$0xF180] =	vst v63  }
0x33: {  	_ = 	snop  }
0x34: {  	[tilespmem:s12], [sflag:$0x1] =	stream.indirect_vreg.gather [hbm4b:s1+s4], $0x80, v3, vm0, $0xb8;
	[tilespmem:$0xF180] =	vst v63  }
0x35: {  	v3 =	vld [tilespmem:$0x20];
	_ =	sdelay $0x4  }
0x36: {  	v46 =	vshll.u32 v3, $0x1  }
0x37: {  	v3 =	vand.u32 $0x7, v3;
	v4 =	vand.u32 $0xFFFFFFF0, v46  }
0x38: {  	v3 =	vor.u32 v3, v4  }
0x39: {  	v4 =	vperm.xlane v3, v0;
	_ =	sdelay $0x1  }
0x3a: {  	v3 =	vperm.xlane v3, v2;
	v4 =	vadd.s32 v1, v4;
	_ =	sdelay $0x1  }
0x3b: {  	v3 =	vadd.s32 v1, v3;
	_ =	sdelay $0x2  }
0x3c: {  	[tilespmem:s13], [sflag:$0x1] =	stream.indirect_vreg.gather [hbm4b:s1+s4], $0x80, v4, vm0, $0xb8;
	[tilespmem:$0xF180] =	vst v63  }
0x3d: {  	_ = 	snop  }
0x3e: {  	[tilespmem:s14], [sflag:$0x1] =	stream.indirect_vreg.gather [hbm4b:s1+s4], $0x80, v3, vm0, $0xb8;
	[tilespmem:$0xF180] =	vst v63  }
0x3f: {  	v3 =	vld [tilespmem:$0x30];
	_ =	sdelay $0x4  }
0x40: {  	v47 =	vshll.u32 v3, $0x1  }
0x41: {  	v3 =	vand.u32 $0x7, v3;
	v4 =	vand.u32 $0xFFFFFFF0, v47  }
0x42: {  	v3 =	vor.u32 v3, v4  }
0x43: {  	v4 =	vperm.xlane v3, v0;
	_ =	sdelay $0x1  }
0x44: {  	v3 =	vperm.xlane v3, v2;
	v4 =	vadd.s32 v1, v4;
	_ =	sdelay $0x1  }
0x45: {  	v3 =	vadd.s32 v1, v3;
	_ =	sdelay $0x2  }
0x46: {  	[tilespmem:s15], [sflag:$0x1] =	stream.indirect_vreg.gather [hbm4b:s1+s4], $0x80, v4, vm0, $0xb8;
	[tilespmem:$0xF180] =	vst v63  }
0x47: {  	_ = 	snop  }
0x48: {  	[tilespmem:s16], [sflag:$0x1] =	stream.indirect_vreg.gather [hbm4b:s1+s4], $0x80, v3, vm0, $0xb8;
	[tilespmem:$0xF180] =	vst v63  }
0x49: {  	v3 =	vld [tilespmem:$0x40];
	_ =	sdelay $0x4  }
0x4a: {  	v48 =	vshll.u32 v3, $0x1  }
0x4b: {  	v3 =	vand.u32 $0x7, v3;
	v4 =	vand.u32 $0xFFFFFFF0, v48  }
0x4c: {  	v3 =	vor.u32 v3, v4  }
0x4d: {  	v4 =	vperm.xlane v3, v0;
	_ =	sdelay $0x1  }
0x4e: {  	v3 =	vperm.xlane v3, v2;
	v4 =	vadd.s32 v1, v4;
	_ =	sdelay $0x1  }
0x4f: {  	v3 =	vadd.s32 v1, v3;
	_ =	sdelay $0x2  }
0x50: {  	[tilespmem:s18], [sflag:$0x1] =	stream.indirect_vreg.gather [hbm4b:s1+s4], $0x80, v4, vm0, $0xb8;
	[tilespmem:$0xF180] =	vst v63  }
0x51: {  	_ = 	snop  }
0x52: {  	[tilespmem:s19], [sflag:$0x1] =	stream.indirect_vreg.gather [hbm4b:s1+s4], $0x80, v3, vm0, $0xb8;
	[tilespmem:$0xF180] =	vst v63  }
0x53: {  	v3 =	vld [tilespmem:$0x50];
	_ =	sdelay $0x4  }
0x54: {  	v49 =	vshll.u32 v3, $0x1  }
0x55: {  	v3 =	vand.u32 $0x7, v3;
	v4 =	vand.u32 $0xFFFFFFF0, v49  }
0x56: {  	v3 =	vor.u32 v3, v4  }
0x57: {  	v4 =	vperm.xlane v3, v0;
	_ =	sdelay $0x1  }
0x58: {  	v3 =	vperm.xlane v3, v2;
	v4 =	vadd.s32 v1, v4;
	_ =	sdelay $0x1  }
0x59: {  	v3 =	vadd.s32 v1, v3;
	_ =	sdelay $0x2  }
0x5a: {  	[tilespmem:s17], [sflag:$0x2] =	stream.indirect_vreg.gather [hbm4b:s1+s4], $0x80, v4, vm0, $0xb8;
	[tilespmem:$0xF180] =	vst v63  }
0x5b: {  	_ = 	snop  }
0x5c: {  	[tilespmem:s20], [sflag:$0x2] =	stream.indirect_vreg.gather [hbm4b:s1+s4], $0x80, v3, vm0, $0xb8;
	[tilespmem:$0xF180] =	vst v63  }
0x5d: {  	v3 =	vld [tilespmem:$0x60];
	_ =	sdelay $0x4  }
0x5e: {  	v50 =	vshll.u32 v3, $0x1  }
0x5f: {  	v3 =	vand.u32 $0x7, v3;
	v4 =	vand.u32 $0xFFFFFFF0, v50  }
0x60: {  	v3 =	vor.u32 v3, v4  }
0x61: {  	v4 =	vperm.xlane v3, v0;
	_ =	sdelay $0x1  }
0x62: {  	v3 =	vperm.xlane v3, v2;
	v4 =	vadd.s32 v1, v4;
	_ =	sdelay $0x1  }
0x63: {  	v3 =	vadd.s32 v1, v3;
	_ =	sdelay $0x2  }
0x64: {  	[tilespmem:s21], [sflag:$0x2] =	stream.indirect_vreg.gather [hbm4b:s1+s4], $0x80, v4, vm0, $0xb8;
	[tilespmem:$0xF180] =	vst v63  }
0x65: {  	_ = 	snop  }
0x66: {  	[tilespmem:s22], [sflag:$0x2] =	stream.indirect_vreg.gather [hbm4b:s1+s4], $0x80, v3, vm0, $0xb8;
	[tilespmem:$0xF180] =	vst v63  }
0x67: {  	v3 =	vld [tilespmem:$0x70];
	_ =	sdelay $0x4  }
0x68: {  	v51 =	vshll.u32 v3, $0x1  }
0x69: {  	v3 =	vand.u32 $0x7, v3;
	v4 =	vand.u32 $0xFFFFFFF0, v51  }
0x6a: {  	v3 =	vor.u32 v3, v4  }
0x6b: {  	v4 =	vperm.xlane v3, v0;
	_ =	sdelay $0x1  }
0x6c: {  	v3 =	vperm.xlane v3, v2;
	v4 =	vadd.s32 v1, v4;
	_ =	sdelay $0x1  }
0x6d: {  	v3 =	vadd.s32 v1, v3;
	_ =	sdelay $0x2  }
0x6e: {  	[tilespmem:s23], [sflag:$0x2] =	stream.indirect_vreg.gather [hbm4b:s1+s4], $0x80, v4, vm0, $0xb8;
	[tilespmem:$0xF180] =	vst v63  }
0x6f: {  	_ = 	snop  }
0x70: {  	[tilespmem:s24], [sflag:$0x2] =	stream.indirect_vreg.gather [hbm4b:s1+s4], $0x80, v3, vm0, $0xb8;
	[tilespmem:$0xF180] =	vst v63  }
0x71: {  	v3 =	vld [tilespmem:$0x80];
	_ =	sdelay $0x4  }
0x72: {  	v52 =	vshll.u32 v3, $0x1  }
0x73: {  	v3 =	vand.u32 $0x7, v3;
	v4 =	vand.u32 $0xFFFFFFF0, v52  }
0x74: {  	v3 =	vor.u32 v3, v4  }
0x75: {  	v4 =	vperm.xlane v3, v0;
	_ =	sdelay $0x1  }
0x76: {  	v3 =	vperm.xlane v3, v2;
	v4 =	vadd.s32 v1, v4;
	_ =	sdelay $0x1  }
0x77: {  	v3 =	vadd.s32 v1, v3;
	_ =	sdelay $0x2  }
0x78: {  	[tilespmem:s25], [sflag:$0x2] =	stream.indirect_vreg.gather [hbm4b:s1+s4], $0x80, v4, vm0, $0xb8;
	[tilespmem:$0xF180] =	vst v63  }
0x79: {  	_ = 	snop  }
0x7a: {  	[tilespmem:s26], [sflag:$0x2] =	stream.indirect_vreg.gather [hbm4b:s1+s4], $0x80, v3, vm0, $0xb8;
	[tilespmem:$0xF180] =	vst v63  }
0x7b: {  	v3 =	vld [tilespmem:$0x90];
	_ =	sdelay $0x4  }
0x7c: {  	v53 =	vshll.u32 v3, $0x1  }
0x7d: {  	v3 =	vand.u32 $0x7, v3;
	v4 =	vand.u32 $0xFFFFFFF0, v53  }
0x7e: {  	v3 =	vor.u32 v3, v4  }
0x7f: {  	v4 =	vperm.xlane v3, v0;
	_ =	sdelay $0x1  }
0x80: {  	v3 =	vperm.xlane v3, v2;
	v4 =	vadd.s32 v1, v4;
	_ =	sdelay $0x1  }
0x81: {  	v3 =	vadd.s32 v1, v3;
	_ =	sdelay $0x1  }
0x82: {  	s6 =	simm.s32 $0x9180  }
0x83: {  	[tilespmem:s6], [sflag:$0x2] =	stream.indirect_vreg.gather [hbm4b:s1+s4], $0x80, v4, vm0, $0xb8;
	[tilespmem:$0xF180] =	vst v63  }
0x84: {  	s2 =	simm.s32 $0x9980  }
0x85: {  	[tilespmem:s2], [sflag:$0x2] =	stream.indirect_vreg.gather [hbm4b:s1+s4], $0x80, v3, vm0, $0xb8;
	[tilespmem:$0xF180] =	vst v63  }
0x86: {  	_ =	swait.ge [sflag:s28], $0x5000  }
0x87: {  	[sflag:s28] =	ssyncset.done $0x0  }
0x88: {  	s9 =	rddreg [dreg:$0x6];
	[sflag:s28] =	ssyncadd.s32 $0xFFFFB000  }
0x89: {  	[hbm4b:s9+s4] =	stream.linear.scatter [tilespmem:s7], [sflag:$0x3], $0x5000, $0x38;
	[tilespmem:$0xF180] =	vst v63  }
0x8a: {  	_ =	swait.ge [sflag:s29], $0x5000  }
0x8b: {  	[sflag:s29] =	ssyncset.done $0x0  }
0x8c: {  	[sflag:s29] =	ssyncadd.s32 $0xFFFFB000  }
0x8d: {  	v3 =	vld [tilespmem:$0xA0];
	_ =	sdelay $0x4  }
0x8e: {  	v54 =	vshll.u32 v3, $0x1  }
0x8f: {  	v3 =	vand.u32 $0x7, v3;
	v4 =	vand.u32 $0xFFFFFFF0, v54  }
0x90: {  	v3 =	vor.u32 v3, v4  }
0x91: {  	v4 =	vperm.xlane v3, v0;
	_ =	sdelay $0x1  }
0x92: {  	v3 =	vperm.xlane v3, v2;
	v4 =	vadd.s32 v1, v4;
	_ =	sdelay $0x1  }
0x93: {  	v3 =	vadd.s32 v1, v3;
	_ =	sdelay $0x2  }
0x94: {  	[tilespmem:s7], [sflag:$0x1] =	stream.indirect_vreg.gather [hbm4b:s1+s4], $0x80, v4, vm0, $0xb8;
	[tilespmem:$0xF180] =	vst v63  }
0x95: {  	_ = 	snop  }
0x96: {  	[tilespmem:s10], [sflag:$0x1] =	stream.indirect_vreg.gather [hbm4b:s1+s4], $0x80, v3, vm0, $0xb8;
	[tilespmem:$0xF180] =	vst v63  }
0x97: {  	v3 =	vld [tilespmem:$0xB0];
	_ =	sdelay $0x4  }
0x98: {  	v55 =	vshll.u32 v3, $0x1  }
0x99: {  	v3 =	vand.u32 $0x7, v3;
	v4 =	vand.u32 $0xFFFFFFF0, v55  }
0x9a: {  	v3 =	vor.u32 v3, v4  }
0x9b: {  	v4 =	vperm.xlane v3, v0;
	_ =	sdelay $0x1  }
0x9c: {  	v3 =	vperm.xlane v3, v2;
	v4 =	vadd.s32 v1, v4;
	_ =	sdelay $0x1  }
0x9d: {  	v3 =	vadd.s32 v1, v3;
	_ =	sdelay $0x2  }
0x9e: {  	[tilespmem:s11], [sflag:$0x1] =	stream.indirect_vreg.gather [hbm4b:s1+s4], $0x80, v4, vm0, $0xb8;
	[tilespmem:$0xF180] =	vst v63  }
0x9f: {  	_ = 	snop  }
0xa0: {  	[tilespmem:s12], [sflag:$0x1] =	stream.indirect_vreg.gather [hbm4b:s1+s4], $0x80, v3, vm0, $0xb8;
	[tilespmem:$0xF180] =	vst v63  }
0xa1: {  	v3 =	vld [tilespmem:$0xC0];
	_ =	sdelay $0x4  }
0xa2: {  	v56 =	vshll.u32 v3, $0x1  }
0xa3: {  	v3 =	vand.u32 $0x7, v3;
	v4 =	vand.u32 $0xFFFFFFF0, v56  }
0xa4: {  	v3 =	vor.u32 v3, v4  }
0xa5: {  	v4 =	vperm.xlane v3, v0;
	_ =	sdelay $0x1  }
0xa6: {  	v3 =	vperm.xlane v3, v2;
	v4 =	vadd.s32 v1, v4;
	_ =	sdelay $0x1  }
0xa7: {  	v3 =	vadd.s32 v1, v3;
	_ =	sdelay $0x2  }
0xa8: {  	[tilespmem:s13], [sflag:$0x1] =	stream.indirect_vreg.gather [hbm4b:s1+s4], $0x80, v4, vm0, $0xb8;
	[tilespmem:$0xF180] =	vst v63  }
0xa9: {  	_ = 	snop  }
0xaa: {  	[tilespmem:s14], [sflag:$0x1] =	stream.indirect_vreg.gather [hbm4b:s1+s4], $0x80, v3, vm0, $0xb8;
	[tilespmem:$0xF180] =	vst v63  }
0xab: {  	v3 =	vld [tilespmem:$0xD0];
	_ =	sdelay $0x4  }
0xac: {  	v57 =	vshll.u32 v3, $0x1  }
0xad: {  	v3 =	vand.u32 $0x7, v3;
	v4 =	vand.u32 $0xFFFFFFF0, v57  }
0xae: {  	v3 =	vor.u32 v3, v4  }
0xaf: {  	v4 =	vperm.xlane v3, v0;
	_ =	sdelay $0x1  }
0xb0: {  	v3 =	vperm.xlane v3, v2;
	v4 =	vadd.s32 v1, v4;
	_ =	sdelay $0x1  }
0xb1: {  	v3 =	vadd.s32 v1, v3;
	_ =	sdelay $0x2  }
0xb2: {  	[tilespmem:s15], [sflag:$0x1] =	stream.indirect_vreg.gather [hbm4b:s1+s4], $0x80, v4, vm0, $0xb8;
	[tilespmem:$0xF180] =	vst v63  }
0xb3: {  	_ = 	snop  }
0xb4: {  	[tilespmem:s16], [sflag:$0x1] =	stream.indirect_vreg.gather [hbm4b:s1+s4], $0x80, v3, vm0, $0xb8;
	[tilespmem:$0xF180] =	vst v63  }
0xb5: {  	v3 =	vld [tilespmem:$0xE0];
	_ =	sdelay $0x4  }
0xb6: {  	v58 =	vshll.u32 v3, $0x1  }
0xb7: {  	v3 =	vand.u32 $0x7, v3;
	v4 =	vand.u32 $0xFFFFFFF0, v58  }
0xb8: {  	v3 =	vor.u32 v3, v4  }
0xb9: {  	v4 =	vperm.xlane v3, v0;
	_ =	sdelay $0x1  }
0xba: {  	v3 =	vperm.xlane v3, v2;
	v4 =	vadd.s32 v1, v4;
	_ =	sdelay $0x1  }
0xbb: {  	v3 =	vadd.s32 v1, v3;
	_ =	sdelay $0x2  }
0xbc: {  	[tilespmem:s18], [sflag:$0x1] =	stream.indirect_vreg.gather [hbm4b:s1+s4], $0x80, v4, vm0, $0xb8;
	[tilespmem:$0xF180] =	vst v63  }
0xbd: {  	_ = 	snop  }
0xbe: {  	[tilespmem:s19], [sflag:$0x1] =	stream.indirect_vreg.gather [hbm4b:s1+s4], $0x80, v3, vm0, $0xb8;
	[tilespmem:$0xF180] =	vst v63  }
0xbf: {  	_ =	swait.ge [sflag:s30], $0x5000  }
0xc0: {  	[sflag:s30] =	ssyncset.done $0x0  }
0xc1: {  	s9 =	rddreg [dreg:$0x7];
	[sflag:s30] =	ssyncadd.s32 $0xFFFFB000  }
0xc2: {  	[hbm4b:s9+s4] =	stream.linear.scatter [tilespmem:s17], [sflag:$0x4], $0x5000, $0x38;
	[tilespmem:$0xF180] =	vst v63  }
0xc3: {  	_ =	swait.ge [sflag:s31], $0x5000  }
0xc4: {  	[sflag:s31] =	ssyncset.done $0x0  }
0xc5: {  	[sflag:s31] =	ssyncadd.s32 $0xFFFFB000  }
0xc6: {  	v3 =	vld [tilespmem:$0xF0];
	_ =	sdelay $0x4  }
0xc7: {  	v59 =	vshll.u32 v3, $0x1  }
0xc8: {  	v3 =	vand.u32 $0x7, v3;
	v4 =	vand.u32 $0xFFFFFFF0, v59  }
0xc9: {  	v3 =	vor.u32 v3, v4  }
0xca: {  	v4 =	vperm.xlane v3, v0;
	_ =	sdelay $0x1  }
0xcb: {  	v3 =	vperm.xlane v3, v2;
	v4 =	vadd.s32 v1, v4;
	_ =	sdelay $0x1  }
0xcc: {  	v3 =	vadd.s32 v1, v3;
	_ =	sdelay $0x2  }
0xcd: {  	[tilespmem:s17], [sflag:$0x2] =	stream.indirect_vreg.gather [hbm4b:s1+s4], $0x80, v4, vm0, $0xb8;
	[tilespmem:$0xF180] =	vst v63  }
0xce: {  	_ = 	snop  }
0xcf: {  	[tilespmem:s20], [sflag:$0x2] =	stream.indirect_vreg.gather [hbm4b:s1+s4], $0x80, v3, vm0, $0xb8;
	[tilespmem:$0xF180] =	vst v63  }
0xd0: {  	v3 =	vld [tilespmem:$0x100];
	_ =	sdelay $0x4  }
0xd1: {  	v60 =	vshll.u32 v3, $0x1  }
0xd2: {  	v3 =	vand.u32 $0x7, v3;
	v4 =	vand.u32 $0xFFFFFFF0, v60  }
0xd3: {  	v3 =	vor.u32 v3, v4  }
0xd4: {  	v4 =	vperm.xlane v3, v0;
	_ =	sdelay $0x1  }
0xd5: {  	v3 =	vperm.xlane v3, v2;
	v4 =	vadd.s32 v1, v4;
	_ =	sdelay $0x1  }
0xd6: {  	v3 =	vadd.s32 v1, v3;
	_ =	sdelay $0x2  }
0xd7: {  	[tilespmem:s21], [sflag:$0x2] =	stream.indirect_vreg.gather [hbm4b:s1+s4], $0x80, v4, vm0, $0xb8;
	[tilespmem:$0xF180] =	vst v63  }
0xd8: {  	_ = 	snop  }
0xd9: {  	[tilespmem:s22], [sflag:$0x2] =	stream.indirect_vreg.gather [hbm4b:s1+s4], $0x80, v3, vm0, $0xb8;
	[tilespmem:$0xF180] =	vst v63  }
0xda: {  	v3 =	vld [tilespmem:$0x110];
	_ =	sdelay $0x4  }
0xdb: {  	v61 =	vshll.u32 v3, $0x1  }
0xdc: {  	v3 =	vand.u32 $0x7, v3;
	v4 =	vand.u32 $0xFFFFFFF0, v61  }
0xdd: {  	v3 =	vor.u32 v3, v4  }
0xde: {  	v4 =	vperm.xlane v3, v0;
	_ =	sdelay $0x1  }
0xdf: {  	v3 =	vperm.xlane v3, v2;
	v4 =	vadd.s32 v1, v4;
	_ =	sdelay $0x1  }
0xe0: {  	v3 =	vadd.s32 v1, v3;
	_ =	sdelay $0x2  }
0xe1: {  	[tilespmem:s23], [sflag:$0x2] =	stream.indirect_vreg.gather [hbm4b:s1+s4], $0x80, v4, vm0, $0xb8;
	[tilespmem:$0xF180] =	vst v63  }
0xe2: {  	_ = 	snop  }
0xe3: {  	[tilespmem:s24], [sflag:$0x2] =	stream.indirect_vreg.gather [hbm4b:s1+s4], $0x80, v3, vm0, $0xb8;
	[tilespmem:$0xF180] =	vst v63  }
0xe4: {  	v3 =	vld [tilespmem:$0x120];
	_ =	sdelay $0x4  }
0xe5: {  	v62 =	vshll.u32 v3, $0x1  }
0xe6: {  	v3 =	vand.u32 $0x7, v3;
	v4 =	vand.u32 $0xFFFFFFF0, v62  }
0xe7: {  	v3 =	vor.u32 v3, v4  }
0xe8: {  	v4 =	vperm.xlane v3, v0;
	_ =	sdelay $0x1  }
0xe9: {  	v3 =	vperm.xlane v3, v2;
	v4 =	vadd.s32 v1, v4;
	_ =	sdelay $0x1  }
0xea: {  	v3 =	vadd.s32 v1, v3;
	_ =	sdelay $0x2  }
0xeb: {  	[tilespmem:s25], [sflag:$0x2] =	stream.indirect_vreg.gather [hbm4b:s1+s4], $0x80, v4, vm0, $0xb8;
	[tilespmem:$0xF180] =	vst v63  }
0xec: {  	_ = 	snop  }
0xed: {  	[tilespmem:s26], [sflag:$0x2] =	stream.indirect_vreg.gather [hbm4b:s1+s4], $0x80, v3, vm0, $0xb8;
	[tilespmem:$0xF180] =	vst v63  }
0xee: {  	v3 =	vld [tilespmem:$0x130];
	_ =	sdelay $0x4  }
0xef: {  	v63 =	vshll.u32 v3, $0x1  }
0xf0: {  	v3 =	vand.u32 $0x7, v3;
	v4 =	vand.u32 $0xFFFFFFF0, v63  }
0xf1: {  	v3 =	vor.u32 v3, v4  }
0xf2: {  	v4 =	vperm.xlane v3, v0;
	_ =	sdelay $0x1  }
0xf3: {  	v3 =	vperm.xlane v3, v2;
	v4 =	vadd.s32 v1, v4;
	_ =	sdelay $0x1  }
0xf4: {  	v3 =	vadd.s32 v1, v3;
	_ =	sdelay $0x2  }
0xf5: {  	[tilespmem:s6], [sflag:$0x2] =	stream.indirect_vreg.gather [hbm4b:s1+s4], $0x80, v4, vm0, $0xb8;
	[tilespmem:$0xF180] =	vst v63  }
0xf6: {  	_ = 	snop  }
0xf7: {  	[tilespmem:s2], [sflag:$0x2] =	stream.indirect_vreg.gather [hbm4b:s1+s4], $0x80, v3, vm0, $0xb8;
	[tilespmem:$0xF180] =	vst v63  }
0xf8: {  	_ =	swait.ge [sflag:s28], $0x5000  }
0xf9: {  	[sflag:s28] =	ssyncset.done $0x0  }
0xfa: {  	s6 =	rddreg [dreg:$0x8];
	[sflag:s28] =	ssyncadd.s32 $0xFFFFB000  }
0xfb: {  	[hbm4b:s6+s4] =	stream.linear.scatter [tilespmem:s7], [sflag:$0x3], $0x5000, $0x38;
	[tilespmem:$0xF180] =	vst v63  }
0xfc: {  	_ =	swait.ge [sflag:s30], $0x5000  }
0xfd: {  	[sflag:s30] =	ssyncset.done $0x0  }
0xfe: {  	s2 =	rddreg [dreg:$0x9];
	[sflag:s30] =	ssyncadd.s32 $0xFFFFB000  }
0xff: {  	[hbm4b:s2+s4] =	stream.linear.scatter [tilespmem:s17], [sflag:$0x4], $0x5000, $0x38;
	[tilespmem:$0xF180] =	vst v63  }
0x100: {  	_ =	swait.ge [sflag:s29], $0x5000  }
0x101: {  	[sflag:s29] =	ssyncset.done $0x0  }
0x102: {  	[sflag:s29] =	ssyncadd.s32 $0xFFFFB000  }
0x103: {  	_ =	swait.ge [sflag:s31], $0x5000  }
0x104: {  	[sflag:s31] =	ssyncset.done $0x0  }
0x105: {  	[sflag:s31] =	ssyncadd.s32 $0xFFFFB000  }
0x106: {  	s2 =	rddreg [dreg:$0x1]  }
0x107: {  	[tilespmem:s0], [sflag:$0x1] =	stream.indirect.gather [hbm4b:s2+s3], $0x80, s4, s3, $0xb8;
	[tilespmem:$0xF180] =	vst v63  }
0x108: {  	_ = 	snop  }
0x109: {  	[tilespmem:s8], [sflag:$0x2] =	stream.indirect.gather [hbm4b:s2+s3], $0x80, s3, s3, $0xb8;
	[tilespmem:$0xF180] =	vst v63  }
0x10a: {  	_ =	swait.ge [sflag:s28], $0x2800  }
0x10b: {  	[sflag:s28] =	ssyncset.done $0x0  }
0x10c: {  	s6 =	rddreg [dreg:$0xa];
	[sflag:s28] =	ssyncadd.s32 $0xFFFFD800  }
0x10d: {  	[hbm4b:s6+s4] =	stream.linear.scatter [tilespmem:s0], [sflag:$0x3], $0x2800, $0x38;
	[tilespmem:$0xF180] =	vst v63  }
0x10e: {  	_ =	swait.ge [sflag:s29], $0x2800  }
0x10f: {  	[sflag:s29] =	ssyncset.done $0x0  }
0x110: {  	s6 =	rddreg [dreg:$0xe];
	[sflag:s29] =	ssyncadd.s32 $0xFFFFD800  }
0x111: {  	[tilespmem:s0], [sflag:$0x1] =	stream.indirect.gather [hbm4b:s2+s3], $0x80, s6, s3, $0xb8;
	[tilespmem:$0xF180] =	vst v63  }
0x112: {  	_ =	swait.ge [sflag:s30], $0x2800  }
0x113: {  	[sflag:s30] =	ssyncset.done $0x0  }
0x114: {  	s6 =	rddreg [dreg:$0xb];
	[sflag:s30] =	ssyncadd.s32 $0xFFFFD800  }
0x115: {  	[hbm4b:s6+s4] =	stream.linear.scatter [tilespmem:s8], [sflag:$0x4], $0x2800, $0x38;
	[tilespmem:$0xF180] =	vst v63  }
0x116: {  	_ =	swait.ge [sflag:s31], $0x2800  }
0x117: {  	[sflag:s31] =	ssyncset.done $0x0  }
0x118: {  	s6 =	rddreg [dreg:$0xf];
	[sflag:s31] =	ssyncadd.s32 $0xFFFFD800  }
0x119: {  	[tilespmem:s8], [sflag:$0x2] =	stream.indirect.gather [hbm4b:s2+s3], $0x80, s6, s3, $0xb8;
	[tilespmem:$0xF180] =	vst v63  }
0x11a: {  	_ =	swait.ge [sflag:s28], $0x2800  }
0x11b: {  	[sflag:s28] =	ssyncset.done $0x0  }
0x11c: {  	s2 =	rddreg [dreg:$0xc];
	[sflag:s28] =	ssyncadd.s32 $0xFFFFD800  }
0x11d: {  	[hbm4b:s2+s4] =	stream.linear.scatter [tilespmem:s0], [sflag:$0x3], $0x2800, $0x38;
	[tilespmem:$0xF180] =	vst v63  }
0x11e: {  	_ =	swait.ge [sflag:s30], $0x2800  }
0x11f: {  	[sflag:s30] =	ssyncset.done $0x0  }
0x120: {  	s6 =	rddreg [dreg:$0xd];
	[sflag:s30] =	ssyncadd.s32 $0xFFFFD800  }
0x121: {  	[hbm4b:s6+s4] =	stream.linear.scatter [tilespmem:s8], [sflag:$0x4], $0x2800, $0x38;
	[tilespmem:$0xF180] =	vst v63  }
0x122: {  	p0 =	sne.s32 s5, $0x1;
	_ =	swait.ge [sflag:s29], $0x2800  }
.Ltmp0:
0x123: {  	[sflag:s29] =	ssyncset.done $0x0;
	(pc) =	sbr.rel @p0 .LBB2_1-.Ltmp0, $4  }
0x124: {  	[sflag:s29] =	ssyncadd.s32 $0xFFFFD800  }
0x125: {  	_ =	swait.ge [sflag:s31], $0x2800  }
0x126: {  	[sflag:s31] =	ssyncset.done $0x0  }
0x127: {  	s5 =	sadd.s32 $0xFFFFFFFF, s5;
	[sflag:s31] =	ssyncadd.s32 $0xFFFFD800  }
0x128: {  	_ =	sfence.sel $0x180000  }
0x129: {  	[bflag:$0x0] =	sbarrier.arrive $0xFFFF  }
0x12a: {  	_ =	strace $0x90000047  }
0x12b: {  	s0 =	stileid.u32;
	[bflag:$0x2] =	sbarrier.arrive $0xFFFF  }
0x12c: {  	p0 =	sne.s32 s0, $0x0;
	s0 =	rddreg [dreg:$0x4]  }
0x12d: {  	s0 =	sadd.s32 @!p0 $0x100000, s0  }
0x12e: {  	[sflag:s0] =	ssyncadd.tile.s32 @!p0 $0x1;
	_ =	shalt  }
.Lfunc_end2:
_tile_overlayer_lowered:
.L_overlay_start_2:
0x12f: {  	(tag) =	ssettag $0x2  }
0x130: {  	s0 =	rddreg [dreg:$0x0];
	s2 =	stileid.u32  }
0x131: {  	s1 =	rddreg [dreg:$0x1];
	p0 =	sne.s32 s2, $0x0  }
0x132: {  	s3 =	rddreg [dreg:$0x2];
	[bflag:$0x3] =	sbarrier.arrive $0xFFFF;
	s2 =	simm.s32 @!p0 $0x1C05  }
0x133: {  	[timem:s3], [sflag:s2] =	dma.local @!p0 [hbm:s0], s1  }
0x134: {  	s0 =	simm.s32 @!p0 $0x5  }
0x135: {  	_ =	swait.ge @!p0 [sflag:s0], s1  }
0x136: {  	s1 =	ssub.s32 @!p0 $0x0, s1;
	[sflag:s0] =	ssyncset.done @!p0 $0x0  }
0x137: {  	[sflag:s0] =	ssyncadd.s32 @!p0 s1  }
0x138: {  	[bflag:$0x3] =	sbarrier.arrive $0xFFFF  }
0x139: {  	_ =	shalt  }

// kernel: kernel.9.cloned.1.call-start
scs
__scs_entry_jumppad:
0x0: {  	(pc) =	sbr.rel $0x88, $3  }
0x1: {  	(tag) =	ssettag $0x0;
	lr =	simm.s32 $0x1  }
0x2: {  	[smem:$0x3F9D] =	sst lr;
	_ =	strace $0xD0000000  }
0x3: {  	_ = 	snop  }
0x4: {  	_ = 	snop  }
0x5: {  	_ = 	snop  }
0x6: {  	_ = 	snop  }
0x7: {  	_ = 	snop  }
__scs_overlays_trampoline_lowered:
0x8: {  	[smem:$0x3FAC] =	sst s0  }
0x9: {  	[smem:$0x3FAD] =	sst s1  }
0xa: {  	[smem:$0x3FAE] =	sst s2  }
0xb: {  	[smem:$0x3FAF] =	sst s3  }
0xc: {  	[smem:$0x3FB0] =	sst s4  }
0xd: {  	[smem:$0x3FB1] =	sst s5  }
0xe: {  	[smem:$0x3FB2] =	sst s6  }
0xf: {  	[smem:$0x3FB3] =	sst s7  }
0x10: {  	[smem:$0x3FB4] =	sst s8  }
0x11: {  	[smem:$0x3FB5] =	sst s9;
	s0 =	simm.s32 @!p0 $0x0  }
0x12: {  	s1 =	sld [smem:$0x3F9B];
	s0 =	simm.s32 @p0 $0x1  }
0x13: {  	[smem:$0x3FB6] =	sst s0;
	s0 =	simm.s32 @!p1 $0x0  }
0x14: {  	s2 =	sld [smem:$0x3F9A];
	s0 =	simm.s32 @p1 $0x1  }
0x15: {  	[smem:$0x3FB7] =	sst s0;
	s0 =	simm.s32 @!p2 $0x0  }
0x16: {  	s3 =	sld [smem:$0x3FDB];
	s0 =	simm.s32 @p2 $0x1  }
0x17: {  	s4 =	simm.s32 $0x1BF5;
	[smem:$0x3FB9] =	sst s0  }
0x18: {  	s0 =	sld [smem:$0x3F9C];
	_ =	swait.ge [sflag:s4], $0x0  }
0x19: {  	s7 =	sld [smem:$0x3F9D]  }
0x1a: {  	s8 =	sadd.s32 $0xFFFFE003, lr  }
0x1b: {  	s9 =	sadd.s32 $0xFFFFFEF7, lr;
	s5 =	simm.s32 $0xFFFFFFFF;
	p2 =	slt.u32 s8, $0xFFFFF086  }
0x1c: {  	p1 =	slt.u32 s9, $0xF7A;
	s5 =	simm.s32 @!p2 $0x0  }
0x1d: {  	s5 =	simm.s32 @p1 $0x1;
	p0 =	seq.s32 s7, s2  }
0x1e: {  	s7 =	smul.u32 @!p0 $0xF7A, s2;
	p2 =	seq.s32 @!p0 s5, $0x0  }
0x1f: {  	s9 =	smul.u32 $0xF7A, s1;
	s8 =	simm.s32 @!p0 $0x1BF5;
	p2 =	por !p2, p0  }
0x20: {  	[sflag:s8] =	ssyncset.s32 @!p0 $0xFFFFF086;
	s6 =	sadd.s32 @!p0 s3, s7;
	s7 =	simm.s32 @!p0 $0x108  }
0x21: {  	s3 =	sadd.s32 s3, s9;
	s6 =	sadd.s32 @!p0 $0x88, s6;
	s7 =	simm.s32 @p2 $0x1082  }
0x22: {  	[simem:s7], [sflag:s8] =	dma.local @!p0 [hbm:s6], $0xF7A  }
0x23: {  	s9 =	sor.u32 $0xD0000000, s2;
	s6 =	simm.s32 $0x108;
	_ =	swait.ge @!p0 [sflag:s8], $0x0  }
0x24: {  	s3 =	sadd.s32 $0x88, s3;
	s6 =	simm.s32 @!p1 $0x1082;
	[sflag:s4] =	ssyncset.s32 $0xFFFFF086  }
0x25: {  	[simem:s6], [sflag:s4] =	dma.local [hbm:s3], $0xF7A  }
0x26: {  	[smem:$0x3F9D] =	sst s1;
	(tag) =	ssettag s2;
	_ =	strace s9  }
0x27: {  	s1 =	sld [smem:$0x3FAD]  }
0x28: {  	s2 =	sld [smem:$0x3FAE]  }
0x29: {  	s4 =	sld [smem:$0x3FB0]  }
0x2a: {  	p0 =	seq.s32 s5, $0x0;
	s5 =	sld [smem:$0x3FB1]  }
0x2b: {  	s6 =	sld [smem:$0x3FB2]  }
0x2c: {  	s7 =	sld [smem:$0x3FB3]  }
0x2d: {  	s3 =	simm.s32 $0x108;
	s8 =	sld [smem:$0x3FB4]  }
0x2e: {  	s3 =	simm.s32 @!p0 $0x1082;
	s9 =	sld [smem:$0x3FB5]  }
0x2f: {  	lr =	sadd.s32 s0, s3;
	s0 =	sld [smem:$0x3FAC]  }
0x30: {  	s3 =	sld [smem:$0x3FAF]  }
0x31: {  	[smem:$0x3FB8] =	sst s10  }
0x32: {  	s10 =	sld [smem:$0x3FB6];
	_ =	sdelay $0x3  }
0x33: {  	p0 =	seq.s32 s10, $0x1;
	s10 =	sld [smem:$0x3FB8];
	_ =	sdelay $0x3  }
0x34: {  	[smem:$0x3FB8] =	sst s10  }
0x35: {  	s10 =	sld [smem:$0x3FB7];
	_ =	sdelay $0x3  }
0x36: {  	p1 =	seq.s32 s10, $0x1;
	s10 =	sld [smem:$0x3FB8];
	_ =	sdelay $0x3  }
0x37: {  	[smem:$0x3FB8] =	sst s10  }
0x38: {  	s10 =	sld [smem:$0x3FB9]  }
0x39: {  	_ = 	snop;
	(pc) =	sbr.ind lr, $3  }
0x3a: {  	_ = 	snop  }
0x3b: {  	_ = 	snop  }
0x3c: {  	p2 =	seq.s32 s10, $0x1;
	s10 =	sld [smem:$0x3FB8]  }
0x3d: {  	_ =	shalt  }
0x3e: {  	_ =	shalt  }
0x3f: {  	_ =	shalt  }
0x40: {  	_ =	shalt  }
0x41: {  	_ =	shalt  }
0x42: {  	_ =	shalt  }
0x43: {  	_ =	shalt  }
0x44: {  	_ =	shalt  }
0x45: {  	_ =	shalt  }
0x46: {  	_ =	shalt  }
0x47: {  	_ =	shalt  }
0x48: {  	_ =	shalt  }
0x49: {  	_ =	shalt  }
0x4a: {  	_ =	shalt  }
0x4b: {  	_ =	shalt  }
0x4c: {  	_ =	shalt  }
0x4d: {  	_ =	shalt  }
0x4e: {  	_ =	shalt  }
0x4f: {  	_ =	shalt  }
0x50: {  	_ =	shalt  }
0x51: {  	_ =	shalt  }
0x52: {  	_ =	shalt  }
0x53: {  	_ =	shalt  }
0x54: {  	_ =	shalt  }
0x55: {  	_ =	shalt  }
0x56: {  	_ =	shalt  }
0x57: {  	_ =	shalt  }
0x58: {  	_ =	shalt  }
0x59: {  	_ =	shalt  }
0x5a: {  	_ =	shalt  }
0x5b: {  	_ =	shalt  }
0x5c: {  	_ =	shalt  }
0x5d: {  	_ =	shalt  }
0x5e: {  	_ =	shalt  }
0x5f: {  	_ =	shalt  }
0x60: {  	_ =	shalt  }
0x61: {  	_ =	shalt  }
0x62: {  	_ =	shalt  }
0x63: {  	_ =	shalt  }
0x64: {  	_ =	shalt  }
0x65: {  	_ =	shalt  }
0x66: {  	_ =	shalt  }
0x67: {  	_ =	shalt  }
0x68: {  	_ =	shalt  }
0x69: {  	_ =	shalt  }
0x6a: {  	_ =	shalt  }
0x6b: {  	_ =	shalt  }
0x6c: {  	_ =	shalt  }
0x6d: {  	_ =	shalt  }
0x6e: {  	_ =	shalt  }
0x6f: {  	_ =	shalt  }
0x70: {  	_ =	shalt  }
0x71: {  	_ =	shalt  }
0x72: {  	_ =	shalt  }
0x73: {  	_ =	shalt  }
0x74: {  	_ =	shalt  }
0x75: {  	_ =	shalt  }
0x76: {  	_ =	shalt  }
0x77: {  	_ =	shalt  }
0x78: {  	_ =	shalt  }
0x79: {  	_ =	shalt  }
0x7a: {  	_ =	shalt  }
0x7b: {  	_ =	shalt  }
0x7c: {  	_ =	shalt  }
0x7d: {  	_ =	shalt  }
0x7e: {  	_ =	shalt  }
0x7f: {  	_ =	shalt  }
0x80: {  	_ =	shalt  }
0x81: {  	_ =	shalt  }
0x82: {  	_ =	shalt  }
0x83: {  	_ =	shalt  }
0x84: {  	_ =	shalt  }
0x85: {  	_ =	shalt  }
0x86: {  	_ =	shalt  }
0x87: {  	_ =	shalt  }
.Lfunc_end0:
.L_simem_size_0:
called_computation.1_lowered:
.L_overlay_start_0:
0x88: {  	s2 =	sld [smem:$0x3FD9]  }
0x89: {  	s3 =	sld [smem:$0x3FFE];
	_ =	sdelay $0x1  }
0x8a: {  	s1 =	srdreg.scid  }
0x8b: {  	s0 =	sand.u32 $0x1, s1  }
0x8c: {  	s17 =	sshll.u32 s0, $0xA;
	s2 =	sadd.s32 s3, s2  }
0x8d: {  	s2 =	sadd.s32 s2, s17  }
0x8e: {  	[smem:$0x3FC4] =	sst s2  }
0x8f: {  	_ = 	snop  }
0x90: {  	s18 =	sld [smem:$0x3FC8]  }
0x91: {  	s4 =	sld [smem:$0x3FC7];
	(tm) =	ssettm $0x1  }
0x92: {  	s19 =	sld [smem:$0x3FFB];
	_ =	sdelay $0x3  }
0x93: {  	_ =	strace s19  }
0x94: {  	s2 =	sld [smem:$0x3FFC];
	_ =	sdelay $0x3  }
0x95: {  	_ =	strace s2  }
0x96: {  	s2 =	sld [smem:$0x3FFD];
	_ =	sdelay $0x3  }
0x97: {  	_ =	strace s2  }
0x98: {  	_ =	strace $0x8FFFFFFF  }
0x99: {  	s20 =	sld [smem:$0x3FDB];
	_ =	sdelay $0x1  }
0x9a: {  	s5 =	simm.s32 $_scs_section_size  }
0x9b: {  	s6 =	simm.s32 $_size__tile_overlayer_lowered;
	s7 =	simm.s32 $_tile_overlayer_lowered  }
0x9c: {  	s8 =	simm.s32 $0x1BFF;
	s21 =	sshll.u32 s7, $0x1;
	s5 =	sadd.s32 s5, s20  }
0x9d: {  	s22 =	simm.s32 $0x0;
	s6 =	sshll.u32 s6, $0x1;
	s7 =	sadd.s32 s21, s5  }
0x9e: {  	[timem:s22], [sflag:s8] =	dma.local [hbm:s7], s6  }
0x9f: {  	_ =	swait.ge [sflag:s8], s6  }
0xa0: {  	s6 =	ssub.s32 $0x0, s6;
	[sflag:s8] =	ssyncset.done $0x0  }
0xa1: {  	[sflag:s8] =	ssyncadd.s32 s6;
	_ =	sdelay $0x1  }
0xa2: {  	s23 =	simm.s32 $0x1B8B  }
0xa3: {  	_ =	swait.ge [sflag:s23], $0x1  }
0xa4: {  	[sflag:s23] =	ssyncset.done $0x0  }
0xa5: {  	[sflag:s23] =	ssyncadd.s32 $0xFFFFFFFF  }
0xa6: {  	s6 =	sld [smem:$0x0]  }
0xa7: {  	s7 =	sand.u32 $0xFFFFFFFE, s1  }
0xa8: {  	p0 =	sne.s32 s1, s7  }
0xa9: {  	s7 =	sshll.u32 @p0 s7, $0xE  }
0xaa: {  	s7 =	sadd.s32 @p0 $0x11B8D, s7;
	s8 =	sshll.u32 @p0 s6, $0x11  }
0xab: {  	s7 =	sor.u32 @p0 s8, s7  }
0xac: {  	[sflag:s7] =	ssyncadd.remote.s32 @p0 $0x1;
	_ =	sdelay $0x1  }
0xad: {  	s7 =	simm.s32 @p0 $0x1B8D  }
0xae: {  	_ =	swait.eq @p0 [sflag:s7], $0x1  }
0xaf: {  	[sflag:s7] =	ssyncadd.s32 @p0 $0xFFFFFFFF  }
0xb0: {  	s8 =	sshll.u32 @!p0 s1, $0xE  }
0xb1: {  	s8 =	sor.u32 @!p0 $0x4000, s8;
	s7 =	simm.s32 @!p0 $0x1B8D  }
0xb2: {  	s6 =	sshll.u32 @!p0 s6, $0x11;
	s8 =	sadd.s32 @!p0 $0x11B8D, s8;
	_ =	swait.eq @!p0 [sflag:s7], $0x1  }
0xb3: {  	s6 =	sor.u32 @!p0 s6, s8;
	[sflag:s7] =	ssyncadd.s32 @!p0 $0xFFFFFFFF  }
0xb4: {  	s25 =	simm.s32 $0x1B8E;
	s24 =	sld [smem:$0x3FFE];
	[sflag:s6] =	ssyncadd.remote.s32 @!p0 $0x1  }
0xb5: {  	s26 =	simm.s32 $execute0_lowered;
	[smem:$0x3FD2] =	sst s25  }
0xb6: {  	s7 =	sshll.u32 s26, $0x1;
	_ =	strace $0x80000049;
	[dreg:$0x1] =	wrdreg $0xFFFFFFFF  }
0xb7: {  	s28 =	simm.s32 $_size_execute0_lowered;
	s5 =	sadd.s32 s5, s7;
	[dreg:$0x0] =	wrdreg $0x0  }
0xb8: {  	s7 =	sshll.u32 s28, $0x1;
	[dreg:$0x2] =	wrdreg s5  }
0xb9: {  	[dreg:$0x3] =	wrdreg s7  }
0xba: {  	[dreg:$0x4] =	wrdreg $0xC0  }
0xbb: {  	_ =	task [dreg:s22], $0x5FFFF  }
0xbc: {  	[dreg:$0x1] =	wrdreg $0xFFFFFFFF  }
0xbd: {  	[dreg:$0x0] =	wrdreg $0x60  }
0xbe: {  	[dreg:$0x2] =	wrdreg s4  }
0xbf: {  	[dreg:$0x3] =	wrdreg s18  }
0xc0: {  	[dreg:$0x4] =	wrdreg s24  }
0xc1: {  	[dreg:$0x5] =	wrdreg $0xA  }
0xc2: {  	_ =	task.clear_ibuf [dreg:s22], $0x6FFFF;
	_ =	strace $0x90000049  }
0xc3: {  	s29 =	simm.s32 $0xA;
	_ =	strace $0x8000004B  }
0xc4: {  	_ =	swait.ge [sflag:s29], $0x1  }
0xc5: {  	[sflag:s29] =	ssyncadd.s32 $0xFFFFFFFF  }
0xc6: {  	_ =	strace $0x9000004B  }
0xc7: {  	_ =	sfence  }
0xc8: {  	s30 =	sld [smem:$0x0];
	_ =	sdelay $0x2  }
0xc9: {  	s31 =	sshll.u32 s1, $0xD;
	s1 =	sshrl.u32 s1, $0x2  }
0xca: {  	s4 =	sand.u32 $0x4000, s31;
	s1 =	sadd.s32 s1, s30  }
0xcb: {  	s0 =	sor.u32 s4, s0;
	s1 =	sshll.u32 s1, $0x11  }
0xcc: {  	s0 =	sor.u32 s1, s0  }
0xcd: {  	s0 =	sadd.s32 $0x8F2B, s0  }
0xce: {  	[sflag:s0] =	ssyncadd.remote.s32 $0x1  }
0xcf: {  	_ =	sfence.sel $0xFFFF  }
0xd0: {  	[dreg:$0x0] =	wrdreg $0xFFFFFFFF;
	(pc) =	sbr.abs _section_cstart, $3  }
0xd1: {  	[dreg:$0x1] =	wrdreg $0xFFFFFFFF  }
0xd2: {  	_ =	task.clear_ibuf [dreg:s22], $0x2FFFF;
	_ =	strace $0x9FFFFFFF  }
0xd3: {  	(tm) =	ssettm $0x7FFFFFFF  }
tec
execute0_lowered:
.L_overlay_start_1:
0x0: {  	(tag) =	ssettag $0x1  }
0x1: {  	s1 =	rddreg [dreg:$0x0];
	s0 =	srdreg.scid  }
0x2: {  	s2 =	stileid.u32;
	s5 =	rddreg [dreg:$0x2];
	s4 =	simm.s32 $0x0  }
0x3: {  	s25 =	simm.s32 $0xA0;
	s26 =	simm.s32 $0xF0;
	s28 =	simm.s32 $0x1  }
0x4: {  	s29 =	simm.s32 $0x3;
	s30 =	simm.s32 $0x2;
	s31 =	simm.s32 $0x4  }
0x5: {  	s12 =	simm.s32 $0x1980;
	s0 =	sand.u32 $0x1, s0;
	s2 =	sshll.u32 s2, $0x1  }
0x6: {  	[smem:$0x7FF] =	sst s4;
	s8 =	sadd.s32 $0x2A800, s5;
	s2 =	sor.u32 s0, s2  }
0x7: {  	_ =	strace $0x8000004A;
	s0 =	ssub.s32 $0x2, s0;
	[dreg:$0xd] =	wrdreg s25  }
0x8: {  	[dreg:$0xe] =	wrdreg s26;
	s25 =	simm.s32 $0x8180;
	s6 =	smul.u32 $0x140, s2  }
0x9: {  	s26 =	simm.s32 $0x8980;
	s9 =	smul.u32 $0x2800, s2;
	s23 =	sshrl.u32 s0, $0x1  }
0xa: {  	s2 =	smul.u32 $0x1400, s2;
	s0 =	ssub.s32 s0, s23;
	s23 =	simm.s32 $0x7180  }
0xb: {  	s7 =	sshrl.u32 s6, $0x3;
	s10 =	sadd.s32 $0x50, s6;
	s13 =	sadd.s32 s8, s9  }
0xc: {  	s16 =	sadd.s32 $0xA0, s6;
	s6 =	sadd.s32 $0xF0, s6;
	s7 =	sadd.s32 s7, s5  }
0xd: {  	s5 =	sadd.s32 $0x7A800, s5;
	s14 =	sshll.u32 s10, $0x5;
	[dreg:$0x5] =	wrdreg s13  }
0xe: {  	s17 =	sshll.u32 s16, $0x5;
	s11 =	sshll.u32 s6, $0x5;
	s19 =	sshll.u32 s10, $0x4  }
0xf: {  	s21 =	sshll.u32 s16, $0x4;
	s6 =	sshll.u32 s6, $0x4;
	s10 =	simm.s32 $0x980  }
0x10: {  	s13 =	simm.s32 $0x2180;
	s16 =	simm.s32 $0x3980;
	s7 =	sadd.s32 $0x2A200, s7  }
0x11: {  	s15 =	sadd.s32 s8, s14;
	s18 =	sadd.s32 s8, s11;
	[dreg:$0x4] =	wrdreg s7  }
0x12: {  	s2 =	sadd.s32 s5, s2;
	s20 =	sadd.s32 s5, s19;
	[dreg:$0x6] =	wrdreg s15  }
0x13: {  	s22 =	sadd.s32 s5, s21;
	s24 =	sadd.s32 s5, s6;
	[dreg:$0x8] =	wrdreg s18  }
0x14: {  	s5 =	smax.u32 s0, $0x1;
	s0 =	simm.s32 $0xA180;
	[dreg:$0x9] =	wrdreg s2  }
0x15: {  	s11 =	simm.s32 $0x1180;
	s14 =	simm.s32 $0x2980;
	[dreg:$0xa] =	wrdreg s20  }
0x16: {  	s19 =	simm.s32 $0x4980;
	s21 =	simm.s32 $0x6180;
	[dreg:$0xb] =	wrdreg s22  }
0x17: {  	s7 =	sadd.s32 s8, s17;
	[dreg:$0xc] =	wrdreg s24;
	s17 =	simm.s32 $0x5180  }
0x18: {  	v2 =	vlaneseq.u32;
	s2 =	simm.s32 $0x50;
	s8 =	simm.s32 $0xC980;
	s15 =	simm.s32 $0x3180  }
0x19: {  	vm0 =	vmmov $0xffff;
	v1 =	vshrl.u32 v2, $0x3;
	s18 =	simm.s32 $0x4180;
	s20 =	simm.s32 $0x5980;
	s22 =	simm.s32 $0x6980  }
0x1a: {  	v0 =	vand.u32 $0x7, v2;
	v2 =	vor.u32 $0x8, v2;
	v1 =	vmul.u32 $0x8, v1;
	s24 =	simm.s32 $0x7980;
	[dreg:$0x7] =	wrdreg s7;
	s7 =	simm.s32 $0x180  }
.LBB2_1:
0x1b: {  	s9 =	rddreg [dreg:$0x4];
	s6 =	simm.s32 $0x5  }
0x1c: {  	[tilespmem:s4], [sflag:$0x5] =	stream.linear.gather [hbm4b:s9+s4], $0x140, $0x38;
	[tilespmem:$0xF180] =	vst v63  }
0x1d: {  	_ =	swait.ge [sflag:s6], $0x140  }
0x1e: {  	[sflag:s6] =	ssyncset.done $0x0  }
0x1f: {  	[sflag:s6] =	ssyncadd.s32 $0xFFFFFEC0  }
0x20: {  	v3 =	vld [tilespmem:$0x0];
	_ =	sdelay $0x4  }
0x21: {  	v4 =	vshll.u32 v3, $0x1  }
0x22: {  	v3 =	vand.u32 $0x7, v3;
	v4 =	vand.u32 $0xFFFFFFF0, v4  }
0x23: {  	v3 =	vor.u32 v3, v4  }
0x24: {  	v4 =	vperm.xlane v3, v0;
	_ =	sdelay $0x1  }
0x25: {  	v3 =	vperm.xlane v3, v2;
	v4 =	vadd.s32 v1, v4;
	_ =	sdelay $0x1  }
0x26: {  	v3 =	vadd.s32 v1, v3;
	_ =	sdelay $0x2  }
0x27: {  	[tilespmem:s7], [sflag:$0x1] =	stream.indirect_vreg.gather [hbm4b:s1+s4], $0x80, v4, vm0, $0xb8;
	[tilespmem:$0xF180] =	vst v63  }
0x28: {  	_ = 	snop  }
0x29: {  	[tilespmem:s10], [sflag:$0x1] =	stream.indirect_vreg.gather [hbm4b:s1+s4], $0x80, v3, vm0, $0xb8;
	[tilespmem:$0xF180] =	vst v63  }
0x2a: {  	v3 =	vld [tilespmem:$0x10];
	_ =	sdelay $0x4  }
0x2b: {  	v45 =	vshll.u32 v3, $0x1  }
0x2c: {  	v3 =	vand.u32 $0x7, v3;
	v4 =	vand.u32 $0xFFFFFFF0, v45  }
0x2d: {  	v3 =	vor.u32 v3, v4  }
0x2e: {  	v4 =	vperm.xlane v3, v0;
	_ =	sdelay $0x1  }
0x2f: {  	v3 =	vperm.xlane v3, v2;
	v4 =	vadd.s32 v1, v4;
	_ =	sdelay $0x1  }
0x30: {  	v3 =	vadd.s32 v1, v3;
	_ =	sdelay $0x2  }
0x31: {  	[tilespmem:s11], [sflag:$0x1] =	stream.indirect_vreg.gather [hbm4b:s1+s4], $0x80, v4, vm0, $0xb8;
	[tilespmem:$0xF180] =	vst v63  }
0x32: {  	_ = 	snop  }
0x33: {  	[tilespmem:s12], [sflag:$0x1] =	stream.indirect_vreg.gather [hbm4b:s1+s4], $0x80, v3, vm0, $0xb8;
	[tilespmem:$0xF180] =	vst v63  }
0x34: {  	v3 =	vld [tilespmem:$0x20];
	_ =	sdelay $0x4  }
0x35: {  	v46 =	vshll.u32 v3, $0x1  }
0x36: {  	v3 =	vand.u32 $0x7, v3;
	v4 =	vand.u32 $0xFFFFFFF0, v46  }
0x37: {  	v3 =	vor.u32 v3, v4  }
0x38: {  	v4 =	vperm.xlane v3, v0;
	_ =	sdelay $0x1  }
0x39: {  	v3 =	vperm.xlane v3, v2;
	v4 =	vadd.s32 v1, v4;
	_ =	sdelay $0x1  }
0x3a: {  	v3 =	vadd.s32 v1, v3;
	_ =	sdelay $0x2  }
0x3b: {  	[tilespmem:s13], [sflag:$0x1] =	stream.indirect_vreg.gather [hbm4b:s1+s4], $0x80, v4, vm0, $0xb8;
	[tilespmem:$0xF180] =	vst v63  }
0x3c: {  	_ = 	snop  }
0x3d: {  	[tilespmem:s14], [sflag:$0x1] =	stream.indirect_vreg.gather [hbm4b:s1+s4], $0x80, v3, vm0, $0xb8;
	[tilespmem:$0xF180] =	vst v63  }
0x3e: {  	v3 =	vld [tilespmem:$0x30];
	_ =	sdelay $0x4  }
0x3f: {  	v47 =	vshll.u32 v3, $0x1  }
0x40: {  	v3 =	vand.u32 $0x7, v3;
	v4 =	vand.u32 $0xFFFFFFF0, v47  }
0x41: {  	v3 =	vor.u32 v3, v4  }
0x42: {  	v4 =	vperm.xlane v3, v0;
	_ =	sdelay $0x1  }
0x43: {  	v3 =	vperm.xlane v3, v2;
	v4 =	vadd.s32 v1, v4;
	_ =	sdelay $0x1  }
0x44: {  	v3 =	vadd.s32 v1, v3;
	_ =	sdelay $0x2  }
0x45: {  	[tilespmem:s15], [sflag:$0x1] =	stream.indirect_vreg.gather [hbm4b:s1+s4], $0x80, v4, vm0, $0xb8;
	[tilespmem:$0xF180] =	vst v63  }
0x46: {  	_ = 	snop  }
0x47: {  	[tilespmem:s16], [sflag:$0x1] =	stream.indirect_vreg.gather [hbm4b:s1+s4], $0x80, v3, vm0, $0xb8;
	[tilespmem:$0xF180] =	vst v63  }
0x48: {  	v3 =	vld [tilespmem:$0x40];
	_ =	sdelay $0x4  }
0x49: {  	v48 =	vshll.u32 v3, $0x1  }
0x4a: {  	v3 =	vand.u32 $0x7, v3;
	v4 =	vand.u32 $0xFFFFFFF0, v48  }
0x4b: {  	v3 =	vor.u32 v3, v4  }
0x4c: {  	v4 =	vperm.xlane v3, v0;
	_ =	sdelay $0x1  }
0x4d: {  	v3 =	vperm.xlane v3, v2;
	v4 =	vadd.s32 v1, v4;
	_ =	sdelay $0x1  }
0x4e: {  	v3 =	vadd.s32 v1, v3;
	_ =	sdelay $0x2  }
0x4f: {  	[tilespmem:s18], [sflag:$0x1] =	stream.indirect_vreg.gather [hbm4b:s1+s4], $0x80, v4, vm0, $0xb8;
	[tilespmem:$0xF180] =	vst v63  }
0x50: {  	_ = 	snop  }
0x51: {  	[tilespmem:s19], [sflag:$0x1] =	stream.indirect_vreg.gather [hbm4b:s1+s4], $0x80, v3, vm0, $0xb8;
	[tilespmem:$0xF180] =	vst v63  }
0x52: {  	v3 =	vld [tilespmem:$0x50];
	_ =	sdelay $0x4  }
0x53: {  	v49 =	vshll.u32 v3, $0x1  }
0x54: {  	v3 =	vand.u32 $0x7, v3;
	v4 =	vand.u32 $0xFFFFFFF0, v49  }
0x55: {  	v3 =	vor.u32 v3, v4  }
0x56: {  	v4 =	vperm.xlane v3, v0;
	_ =	sdelay $0x1  }
0x57: {  	v3 =	vperm.xlane v3, v2;
	v4 =	vadd.s32 v1, v4;
	_ =	sdelay $0x1  }
0x58: {  	v3 =	vadd.s32 v1, v3;
	_ =	sdelay $0x2  }
0x59: {  	[tilespmem:s17], [sflag:$0x2] =	stream.indirect_vreg.gather [hbm4b:s1+s4], $0x80, v4, vm0, $0xb8;
	[tilespmem:$0xF180] =	vst v63  }
0x5a: {  	_ = 	snop  }
0x5b: {  	[tilespmem:s20], [sflag:$0x2] =	stream.indirect_vreg.gather [hbm4b:s1+s4], $0x80, v3, vm0, $0xb8;
	[tilespmem:$0xF180] =	vst v63  }
0x5c: {  	v3 =	vld [tilespmem:$0x60];
	_ =	sdelay $0x4  }
0x5d: {  	v50 =	vshll.u32 v3, $0x1  }
0x5e: {  	v3 =	vand.u32 $0x7, v3;
	v4 =	vand.u32 $0xFFFFFFF0, v50  }
0x5f: {  	v3 =	vor.u32 v3, v4  }
0x60: {  	v4 =	vperm.xlane v3, v0;
	_ =	sdelay $0x1  }
0x61: {  	v3 =	vperm.xlane v3, v2;
	v4 =	vadd.s32 v1, v4;
	_ =	sdelay $0x1  }
0x62: {  	v3 =	vadd.s32 v1, v3;
	_ =	sdelay $0x2  }
0x63: {  	[tilespmem:s21], [sflag:$0x2] =	stream.indirect_vreg.gather [hbm4b:s1+s4], $0x80, v4, vm0, $0xb8;
	[tilespmem:$0xF180] =	vst v63  }
0x64: {  	_ = 	snop  }
0x65: {  	[tilespmem:s22], [sflag:$0x2] =	stream.indirect_vreg.gather [hbm4b:s1+s4], $0x80, v3, vm0, $0xb8;
	[tilespmem:$0xF180] =	vst v63  }
0x66: {  	v3 =	vld [tilespmem:$0x70];
	_ =	sdelay $0x4  }
0x67: {  	v51 =	vshll.u32 v3, $0x1  }
0x68: {  	v3 =	vand.u32 $0x7, v3;
	v4 =	vand.u32 $0xFFFFFFF0, v51  }
0x69: {  	v3 =	vor.u32 v3, v4  }
0x6a: {  	v4 =	vperm.xlane v3, v0;
	_ =	sdelay $0x1  }
0x6b: {  	v3 =	vperm.xlane v3, v2;
	v4 =	vadd.s32 v1, v4;
	_ =	sdelay $0x1  }
0x6c: {  	v3 =	vadd.s32 v1, v3;
	_ =	sdelay $0x2  }
0x6d: {  	[tilespmem:s23], [sflag:$0x2] =	stream.indirect_vreg.gather [hbm4b:s1+s4], $0x80, v4, vm0, $0xb8;
	[tilespmem:$0xF180] =	vst v63  }
0x6e: {  	_ = 	snop  }
0x6f: {  	[tilespmem:s24], [sflag:$0x2] =	stream.indirect_vreg.gather [hbm4b:s1+s4], $0x80, v3, vm0, $0xb8;
	[tilespmem:$0xF180] =	vst v63  }
0x70: {  	v3 =	vld [tilespmem:$0x80];
	_ =	sdelay $0x4  }
0x71: {  	v52 =	vshll.u32 v3, $0x1  }
0x72: {  	v3 =	vand.u32 $0x7, v3;
	v4 =	vand.u32 $0xFFFFFFF0, v52  }
0x73: {  	v3 =	vor.u32 v3, v4  }
0x74: {  	v4 =	vperm.xlane v3, v0;
	_ =	sdelay $0x1  }
0x75: {  	v3 =	vperm.xlane v3, v2;
	v4 =	vadd.s32 v1, v4;
	_ =	sdelay $0x1  }
0x76: {  	v3 =	vadd.s32 v1, v3;
	_ =	sdelay $0x2  }
0x77: {  	[tilespmem:s25], [sflag:$0x2] =	stream.indirect_vreg.gather [hbm4b:s1+s4], $0x80, v4, vm0, $0xb8;
	[tilespmem:$0xF180] =	vst v63  }
0x78: {  	_ = 	snop  }
0x79: {  	[tilespmem:s26], [sflag:$0x2] =	stream.indirect_vreg.gather [hbm4b:s1+s4], $0x80, v3, vm0, $0xb8;
	[tilespmem:$0xF180] =	vst v63  }
0x7a: {  	v3 =	vld [tilespmem:$0x90];
	_ =	sdelay $0x4  }
0x7b: {  	v53 =	vshll.u32 v3, $0x1  }
0x7c: {  	v3 =	vand.u32 $0x7, v3;
	v4 =	vand.u32 $0xFFFFFFF0, v53  }
0x7d: {  	v3 =	vor.u32 v3, v4  }
0x7e: {  	v4 =	vperm.xlane v3, v0;
	_ =	sdelay $0x1  }
0x7f: {  	v3 =	vperm.xlane v3, v2;
	v4 =	vadd.s32 v1, v4;
	_ =	sdelay $0x1  }
0x80: {  	v3 =	vadd.s32 v1, v3;
	_ =	sdelay $0x1  }
0x81: {  	s6 =	simm.s32 $0x9180  }
0x82: {  	[tilespmem:s6], [sflag:$0x2] =	stream.indirect_vreg.gather [hbm4b:s1+s4], $0x80, v4, vm0, $0xb8;
	[tilespmem:$0xF180] =	vst v63  }
0x83: {  	s3 =	simm.s32 $0x9980  }
0x84: {  	[tilespmem:s3], [sflag:$0x2] =	stream.indirect_vreg.gather [hbm4b:s1+s4], $0x80, v3, vm0, $0xb8;
	[tilespmem:$0xF180] =	vst v63  }
0x85: {  	_ =	swait.ge [sflag:s28], $0x5000  }
0x86: {  	[sflag:s28] =	ssyncset.done $0x0  }
0x87: {  	s9 =	rddreg [dreg:$0x5];
	[sflag:s28] =	ssyncadd.s32 $0xFFFFB000  }
0x88: {  	[hbm4b:s9+s4] =	stream.linear.scatter [tilespmem:s7], [sflag:$0x3], $0x5000, $0x38;
	[tilespmem:$0xF180] =	vst v63  }
0x89: {  	_ =	swait.ge [sflag:s29], $0x5000  }
0x8a: {  	[sflag:s29] =	ssyncset.done $0x0  }
0x8b: {  	[sflag:s29] =	ssyncadd.s32 $0xFFFFB000  }
0x8c: {  	v3 =	vld [tilespmem:$0xA0];
	_ =	sdelay $0x4  }
0x8d: {  	v54 =	vshll.u32 v3, $0x1  }
0x8e: {  	v3 =	vand.u32 $0x7, v3;
	v4 =	vand.u32 $0xFFFFFFF0, v54  }
0x8f: {  	v3 =	vor.u32 v3, v4  }
0x90: {  	v4 =	vperm.xlane v3, v0;
	_ =	sdelay $0x1  }
0x91: {  	v3 =	vperm.xlane v3, v2;
	v4 =	vadd.s32 v1, v4;
	_ =	sdelay $0x1  }
0x92: {  	v3 =	vadd.s32 v1, v3;
	_ =	sdelay $0x2  }
0x93: {  	[tilespmem:s7], [sflag:$0x1] =	stream.indirect_vreg.gather [hbm4b:s1+s4], $0x80, v4, vm0, $0xb8;
	[tilespmem:$0xF180] =	vst v63  }
0x94: {  	_ = 	snop  }
0x95: {  	[tilespmem:s10], [sflag:$0x1] =	stream.indirect_vreg.gather [hbm4b:s1+s4], $0x80, v3, vm0, $0xb8;
	[tilespmem:$0xF180] =	vst v63  }
0x96: {  	v3 =	vld [tilespmem:$0xB0];
	_ =	sdelay $0x4  }
0x97: {  	v55 =	vshll.u32 v3, $0x1  }
0x98: {  	v3 =	vand.u32 $0x7, v3;
	v4 =	vand.u32 $0xFFFFFFF0, v55  }
0x99: {  	v3 =	vor.u32 v3, v4  }
0x9a: {  	v4 =	vperm.xlane v3, v0;
	_ =	sdelay $0x1  }
0x9b: {  	v3 =	vperm.xlane v3, v2;
	v4 =	vadd.s32 v1, v4;
	_ =	sdelay $0x1  }
0x9c: {  	v3 =	vadd.s32 v1, v3;
	_ =	sdelay $0x2  }
0x9d: {  	[tilespmem:s11], [sflag:$0x1] =	stream.indirect_vreg.gather [hbm4b:s1+s4], $0x80, v4, vm0, $0xb8;
	[tilespmem:$0xF180] =	vst v63  }
0x9e: {  	_ = 	snop  }
0x9f: {  	[tilespmem:s12], [sflag:$0x1] =	stream.indirect_vreg.gather [hbm4b:s1+s4], $0x80, v3, vm0, $0xb8;
	[tilespmem:$0xF180] =	vst v63  }
0xa0: {  	v3 =	vld [tilespmem:$0xC0];
	_ =	sdelay $0x4  }
0xa1: {  	v56 =	vshll.u32 v3, $0x1  }
0xa2: {  	v3 =	vand.u32 $0x7, v3;
	v4 =	vand.u32 $0xFFFFFFF0, v56  }
0xa3: {  	v3 =	vor.u32 v3, v4  }
0xa4: {  	v4 =	vperm.xlane v3, v0;
	_ =	sdelay $0x1  }
0xa5: {  	v3 =	vperm.xlane v3, v2;
	v4 =	vadd.s32 v1, v4;
	_ =	sdelay $0x1  }
0xa6: {  	v3 =	vadd.s32 v1, v3;
	_ =	sdelay $0x2  }
0xa7: {  	[tilespmem:s13], [sflag:$0x1] =	stream.indirect_vreg.gather [hbm4b:s1+s4], $0x80, v4, vm0, $0xb8;
	[tilespmem:$0xF180] =	vst v63  }
0xa8: {  	_ = 	snop  }
0xa9: {  	[tilespmem:s14], [sflag:$0x1] =	stream.indirect_vreg.gather [hbm4b:s1+s4], $0x80, v3, vm0, $0xb8;
	[tilespmem:$0xF180] =	vst v63  }
0xaa: {  	v3 =	vld [tilespmem:$0xD0];
	_ =	sdelay $0x4  }
0xab: {  	v57 =	vshll.u32 v3, $0x1  }
0xac: {  	v3 =	vand.u32 $0x7, v3;
	v4 =	vand.u32 $0xFFFFFFF0, v57  }
0xad: {  	v3 =	vor.u32 v3, v4  }
0xae: {  	v4 =	vperm.xlane v3, v0;
	_ =	sdelay $0x1  }
0xaf: {  	v3 =	vperm.xlane v3, v2;
	v4 =	vadd.s32 v1, v4;
	_ =	sdelay $0x1  }
0xb0: {  	v3 =	vadd.s32 v1, v3;
	_ =	sdelay $0x2  }
0xb1: {  	[tilespmem:s15], [sflag:$0x1] =	stream.indirect_vreg.gather [hbm4b:s1+s4], $0x80, v4, vm0, $0xb8;
	[tilespmem:$0xF180] =	vst v63  }
0xb2: {  	_ = 	snop  }
0xb3: {  	[tilespmem:s16], [sflag:$0x1] =	stream.indirect_vreg.gather [hbm4b:s1+s4], $0x80, v3, vm0, $0xb8;
	[tilespmem:$0xF180] =	vst v63  }
0xb4: {  	v3 =	vld [tilespmem:$0xE0];
	_ =	sdelay $0x4  }
0xb5: {  	v58 =	vshll.u32 v3, $0x1  }
0xb6: {  	v3 =	vand.u32 $0x7, v3;
	v4 =	vand.u32 $0xFFFFFFF0, v58  }
0xb7: {  	v3 =	vor.u32 v3, v4  }
0xb8: {  	v4 =	vperm.xlane v3, v0;
	_ =	sdelay $0x1  }
0xb9: {  	v3 =	vperm.xlane v3, v2;
	v4 =	vadd.s32 v1, v4;
	_ =	sdelay $0x1  }
0xba: {  	v3 =	vadd.s32 v1, v3;
	_ =	sdelay $0x2  }
0xbb: {  	[tilespmem:s18], [sflag:$0x1] =	stream.indirect_vreg.gather [hbm4b:s1+s4], $0x80, v4, vm0, $0xb8;
	[tilespmem:$0xF180] =	vst v63  }
0xbc: {  	_ = 	snop  }
0xbd: {  	[tilespmem:s19], [sflag:$0x1] =	stream.indirect_vreg.gather [hbm4b:s1+s4], $0x80, v3, vm0, $0xb8;
	[tilespmem:$0xF180] =	vst v63  }
0xbe: {  	_ =	swait.ge [sflag:s30], $0x5000  }
0xbf: {  	[sflag:s30] =	ssyncset.done $0x0  }
0xc0: {  	s9 =	rddreg [dreg:$0x6];
	[sflag:s30] =	ssyncadd.s32 $0xFFFFB000  }
0xc1: {  	[hbm4b:s9+s4] =	stream.linear.scatter [tilespmem:s17], [sflag:$0x4], $0x5000, $0x38;
	[tilespmem:$0xF180] =	vst v63  }
0xc2: {  	_ =	swait.ge [sflag:s31], $0x5000  }
0xc3: {  	[sflag:s31] =	ssyncset.done $0x0  }
0xc4: {  	[sflag:s31] =	ssyncadd.s32 $0xFFFFB000  }
0xc5: {  	v3 =	vld [tilespmem:$0xF0];
	_ =	sdelay $0x4  }
0xc6: {  	v59 =	vshll.u32 v3, $0x1  }
0xc7: {  	v3 =	vand.u32 $0x7, v3;
	v4 =	vand.u32 $0xFFFFFFF0, v59  }
0xc8: {  	v3 =	vor.u32 v3, v4  }
0xc9: {  	v4 =	vperm.xlane v3, v0;
	_ =	sdelay $0x1  }
0xca: {  	v3 =	vperm.xlane v3, v2;
	v4 =	vadd.s32 v1, v4;
	_ =	sdelay $0x1  }
0xcb: {  	v3 =	vadd.s32 v1, v3;
	_ =	sdelay $0x2  }
0xcc: {  	[tilespmem:s17], [sflag:$0x2] =	stream.indirect_vreg.gather [hbm4b:s1+s4], $0x80, v4, vm0, $0xb8;
	[tilespmem:$0xF180] =	vst v63  }
0xcd: {  	_ = 	snop  }
0xce: {  	[tilespmem:s20], [sflag:$0x2] =	stream.indirect_vreg.gather [hbm4b:s1+s4], $0x80, v3, vm0, $0xb8;
	[tilespmem:$0xF180] =	vst v63  }
0xcf: {  	v3 =	vld [tilespmem:$0x100];
	_ =	sdelay $0x4  }
0xd0: {  	v60 =	vshll.u32 v3, $0x1  }
0xd1: {  	v3 =	vand.u32 $0x7, v3;
	v4 =	vand.u32 $0xFFFFFFF0, v60  }
0xd2: {  	v3 =	vor.u32 v3, v4  }
0xd3: {  	v4 =	vperm.xlane v3, v0;
	_ =	sdelay $0x1  }
0xd4: {  	v3 =	vperm.xlane v3, v2;
	v4 =	vadd.s32 v1, v4;
	_ =	sdelay $0x1  }
0xd5: {  	v3 =	vadd.s32 v1, v3;
	_ =	sdelay $0x2  }
0xd6: {  	[tilespmem:s21], [sflag:$0x2] =	stream.indirect_vreg.gather [hbm4b:s1+s4], $0x80, v4, vm0, $0xb8;
	[tilespmem:$0xF180] =	vst v63  }
0xd7: {  	_ = 	snop  }
0xd8: {  	[tilespmem:s22], [sflag:$0x2] =	stream.indirect_vreg.gather [hbm4b:s1+s4], $0x80, v3, vm0, $0xb8;
	[tilespmem:$0xF180] =	vst v63  }
0xd9: {  	v3 =	vld [tilespmem:$0x110];
	_ =	sdelay $0x4  }
0xda: {  	v61 =	vshll.u32 v3, $0x1  }
0xdb: {  	v3 =	vand.u32 $0x7, v3;
	v4 =	vand.u32 $0xFFFFFFF0, v61  }
0xdc: {  	v3 =	vor.u32 v3, v4  }
0xdd: {  	v4 =	vperm.xlane v3, v0;
	_ =	sdelay $0x1  }
0xde: {  	v3 =	vperm.xlane v3, v2;
	v4 =	vadd.s32 v1, v4;
	_ =	sdelay $0x1  }
0xdf: {  	v3 =	vadd.s32 v1, v3;
	_ =	sdelay $0x2  }
0xe0: {  	[tilespmem:s23], [sflag:$0x2] =	stream.indirect_vreg.gather [hbm4b:s1+s4], $0x80, v4, vm0, $0xb8;
	[tilespmem:$0xF180] =	vst v63  }
0xe1: {  	_ = 	snop  }
0xe2: {  	[tilespmem:s24], [sflag:$0x2] =	stream.indirect_vreg.gather [hbm4b:s1+s4], $0x80, v3, vm0, $0xb8;
	[tilespmem:$0xF180] =	vst v63  }
0xe3: {  	v3 =	vld [tilespmem:$0x120];
	_ =	sdelay $0x4  }
0xe4: {  	v62 =	vshll.u32 v3, $0x1  }
0xe5: {  	v3 =	vand.u32 $0x7, v3;
	v4 =	vand.u32 $0xFFFFFFF0, v62  }
0xe6: {  	v3 =	vor.u32 v3, v4  }
0xe7: {  	v4 =	vperm.xlane v3, v0;
	_ =	sdelay $0x1  }
0xe8: {  	v3 =	vperm.xlane v3, v2;
	v4 =	vadd.s32 v1, v4;
	_ =	sdelay $0x1  }
0xe9: {  	v3 =	vadd.s32 v1, v3;
	_ =	sdelay $0x2  }
0xea: {  	[tilespmem:s25], [sflag:$0x2] =	stream.indirect_vreg.gather [hbm4b:s1+s4], $0x80, v4, vm0, $0xb8;
	[tilespmem:$0xF180] =	vst v63  }
0xeb: {  	_ = 	snop  }
0xec: {  	[tilespmem:s26], [sflag:$0x2] =	stream.indirect_vreg.gather [hbm4b:s1+s4], $0x80, v3, vm0, $0xb8;
	[tilespmem:$0xF180] =	vst v63  }
0xed: {  	v3 =	vld [tilespmem:$0x130];
	_ =	sdelay $0x4  }
0xee: {  	v63 =	vshll.u32 v3, $0x1  }
0xef: {  	v3 =	vand.u32 $0x7, v3;
	v4 =	vand.u32 $0xFFFFFFF0, v63  }
0xf0: {  	v3 =	vor.u32 v3, v4  }
0xf1: {  	v4 =	vperm.xlane v3, v0;
	_ =	sdelay $0x1  }
0xf2: {  	v3 =	vperm.xlane v3, v2;
	v4 =	vadd.s32 v1, v4;
	_ =	sdelay $0x1  }
0xf3: {  	v3 =	vadd.s32 v1, v3;
	_ =	sdelay $0x2  }
0xf4: {  	[tilespmem:s6], [sflag:$0x2] =	stream.indirect_vreg.gather [hbm4b:s1+s4], $0x80, v4, vm0, $0xb8;
	[tilespmem:$0xF180] =	vst v63  }
0xf5: {  	_ = 	snop  }
0xf6: {  	[tilespmem:s3], [sflag:$0x2] =	stream.indirect_vreg.gather [hbm4b:s1+s4], $0x80, v3, vm0, $0xb8;
	[tilespmem:$0xF180] =	vst v63  }
0xf7: {  	_ =	swait.ge [sflag:s28], $0x5000  }
0xf8: {  	[sflag:s28] =	ssyncset.done $0x0  }
0xf9: {  	s6 =	rddreg [dreg:$0x7];
	[sflag:s28] =	ssyncadd.s32 $0xFFFFB000  }
0xfa: {  	[hbm4b:s6+s4] =	stream.linear.scatter [tilespmem:s7], [sflag:$0x3], $0x5000, $0x38;
	[tilespmem:$0xF180] =	vst v63  }
0xfb: {  	_ =	swait.ge [sflag:s30], $0x5000  }
0xfc: {  	[sflag:s30] =	ssyncset.done $0x0  }
0xfd: {  	s3 =	rddreg [dreg:$0x8];
	[sflag:s30] =	ssyncadd.s32 $0xFFFFB000  }
0xfe: {  	[hbm4b:s3+s4] =	stream.linear.scatter [tilespmem:s17], [sflag:$0x4], $0x5000, $0x38;
	[tilespmem:$0xF180] =	vst v63  }
0xff: {  	_ =	swait.ge [sflag:s29], $0x5000  }
0x100: {  	[sflag:s29] =	ssyncset.done $0x0  }
0x101: {  	[sflag:s29] =	ssyncadd.s32 $0xFFFFB000  }
0x102: {  	_ =	swait.ge [sflag:s31], $0x5000  }
0x103: {  	[sflag:s31] =	ssyncset.done $0x0  }
0x104: {  	[sflag:s31] =	ssyncadd.s32 $0xFFFFB000  }
0x105: {  	s3 =	rddreg [dreg:$0x1]  }
0x106: {  	[tilespmem:s0], [sflag:$0x1] =	stream.indirect.gather [hbm4b:s3+s2], $0x80, s4, s2, $0xb8;
	[tilespmem:$0xF180] =	vst v63  }
0x107: {  	_ = 	snop  }
0x108: {  	[tilespmem:s8], [sflag:$0x2] =	stream.indirect.gather [hbm4b:s3+s2], $0x80, s2, s2, $0xb8;
	[tilespmem:$0xF180] =	vst v63  }
0x109: {  	_ =	swait.ge [sflag:s28], $0x2800  }
0x10a: {  	[sflag:s28] =	ssyncset.done $0x0  }
0x10b: {  	s6 =	rddreg [dreg:$0x9];
	[sflag:s28] =	ssyncadd.s32 $0xFFFFD800  }
0x10c: {  	[hbm4b:s6+s4] =	stream.linear.scatter [tilespmem:s0], [sflag:$0x3], $0x2800, $0x38;
	[tilespmem:$0xF180] =	vst v63  }
0x10d: {  	_ =	swait.ge [sflag:s29], $0x2800  }
0x10e: {  	[sflag:s29] =	ssyncset.done $0x0  }
0x10f: {  	s6 =	rddreg [dreg:$0xd];
	[sflag:s29] =	ssyncadd.s32 $0xFFFFD800  }
0x110: {  	[tilespmem:s0], [sflag:$0x1] =	stream.indirect.gather [hbm4b:s3+s2], $0x80, s6, s2, $0xb8;
	[tilespmem:$0xF180] =	vst v63  }
0x111: {  	_ =	swait.ge [sflag:s30], $0x2800  }
0x112: {  	[sflag:s30] =	ssyncset.done $0x0  }
0x113: {  	s6 =	rddreg [dreg:$0xa];
	[sflag:s30] =	ssyncadd.s32 $0xFFFFD800  }
0x114: {  	[hbm4b:s6+s4] =	stream.linear.scatter [tilespmem:s8], [sflag:$0x4], $0x2800, $0x38;
	[tilespmem:$0xF180] =	vst v63  }
0x115: {  	_ =	swait.ge [sflag:s31], $0x2800  }
0x116: {  	[sflag:s31] =	ssyncset.done $0x0  }
0x117: {  	s6 =	rddreg [dreg:$0xe];
	[sflag:s31] =	ssyncadd.s32 $0xFFFFD800  }
0x118: {  	[tilespmem:s8], [sflag:$0x2] =	stream.indirect.gather [hbm4b:s3+s2], $0x80, s6, s2, $0xb8;
	[tilespmem:$0xF180] =	vst v63  }
0x119: {  	_ =	swait.ge [sflag:s28], $0x2800  }
0x11a: {  	[sflag:s28] =	ssyncset.done $0x0  }
0x11b: {  	s3 =	rddreg [dreg:$0xb];
	[sflag:s28] =	ssyncadd.s32 $0xFFFFD800  }
0x11c: {  	[hbm4b:s3+s4] =	stream.linear.scatter [tilespmem:s0], [sflag:$0x3], $0x2800, $0x38;
	[tilespmem:$0xF180] =	vst v63  }
0x11d: {  	_ =	swait.ge [sflag:s30], $0x2800  }
0x11e: {  	[sflag:s30] =	ssyncset.done $0x0  }
0x11f: {  	s6 =	rddreg [dreg:$0xc];
	[sflag:s30] =	ssyncadd.s32 $0xFFFFD800  }
0x120: {  	[hbm4b:s6+s4] =	stream.linear.scatter [tilespmem:s8], [sflag:$0x4], $0x2800, $0x38;
	[tilespmem:$0xF180] =	vst v63  }
0x121: {  	p0 =	sne.s32 s5, $0x1;
	_ =	swait.ge [sflag:s29], $0x2800  }
.Ltmp0:
0x122: {  	[sflag:s29] =	ssyncset.done $0x0;
	(pc) =	sbr.rel @p0 .LBB2_1-.Ltmp0, $4  }
0x123: {  	[sflag:s29] =	ssyncadd.s32 $0xFFFFD800  }
0x124: {  	_ =	swait.ge [sflag:s31], $0x2800  }
0x125: {  	[sflag:s31] =	ssyncset.done $0x0  }
0x126: {  	s5 =	sadd.s32 $0xFFFFFFFF, s5;
	[sflag:s31] =	ssyncadd.s32 $0xFFFFD800  }
0x127: {  	_ =	sfence.sel $0x180000  }
0x128: {  	[bflag:$0x0] =	sbarrier.arrive $0xFFFF  }
0x129: {  	_ =	strace $0x9000004A  }
0x12a: {  	s0 =	stileid.u32;
	[bflag:$0x2] =	sbarrier.arrive $0xFFFF  }
0x12b: {  	p0 =	sne.s32 s0, $0x0;
	s0 =	rddreg [dreg:$0x3]  }
0x12c: {  	s0 =	sadd.s32 @!p0 $0x100000, s0  }
0x12d: {  	[sflag:s0] =	ssyncadd.tile.s32 @!p0 $0x1;
	_ =	shalt  }
.Lfunc_end2:
_tile_overlayer_lowered:
.L_overlay_start_2:
0x12e: {  	(tag) =	ssettag $0x2  }
0x12f: {  	s0 =	rddreg [dreg:$0x0];
	s2 =	stileid.u32  }
0x130: {  	s1 =	rddreg [dreg:$0x1];
	p0 =	sne.s32 s2, $0x0  }
0x131: {  	s3 =	rddreg [dreg:$0x2];
	[bflag:$0x3] =	sbarrier.arrive $0xFFFF;
	s2 =	simm.s32 @!p0 $0x1C05  }
0x132: {  	[timem:s3], [sflag:s2] =	dma.local @!p0 [hbm:s0], s1  }
0x133: {  	s0 =	simm.s32 @!p0 $0x5  }
0x134: {  	_ =	swait.ge @!p0 [sflag:s0], s1  }
0x135: {  	s1 =	ssub.s32 @!p0 $0x0, s1;
	[sflag:s0] =	ssyncset.done @!p0 $0x0  }
0x136: {  	[sflag:s0] =	ssyncadd.s32 @!p0 s1  }
0x137: {  	[bflag:$0x3] =	sbarrier.arrive $0xFFFF  }
0x138: {  	_ =	shalt  }

</sc_bundles>
